<compile_context>
chip_gen: v7x
topology: tpu7x:2x2x1
jax: 0.10.2.dev20260603
libtpu: 0.0.44.dev20260713+nightly
codegen_flags: <defaults>
</compile_context>

<pallas_src>
import functools
import math

import jax
import jax.numpy as jnp
from jax import lax
from jax.experimental import pallas as pl
from jax.experimental.pallas import tpu as pltpu
from jax.experimental.pallas import tpu_sc as plsc

_LOG2_HASHMAP_SIZE = 19
_BASE_RESOLUTION = 16
_N_LEVELS = 16


def _grid_metadata():
    per_level_scale = math.exp(
        math.log(2048 * 1 / _BASE_RESOLUTION) / (_N_LEVELS - 1))
    hashmap_size = round(math.pow(2, _LOG2_HASHMAP_SIZE))
    offsets, scales, resolutions = [], [], []
    n_params = 0
    n_levels_normal = 0
    for i in range(_N_LEVELS):
        scale = math.pow(2.0, i * math.log2(per_level_scale)) * _BASE_RESOLUTION - 1.0
        grid_resolution = int(math.ceil(scale)) + 1
        params_in_level = math.pow(grid_resolution, 3)
        params_in_level = math.ceil(params_in_level / 8) * 8
        params_in_level = min(params_in_level, hashmap_size)
        params_in_level = int(params_in_level)
        if math.pow(grid_resolution, 3) <= params_in_level:
            n_levels_normal += 1
        offsets.append(n_params)
        scales.append(scale)
        resolutions.append(grid_resolution)
        n_params += params_in_level
    return offsets, scales, resolutions, n_params, n_levels_normal, hashmap_size


_OFFSETS, _SCALES, _RESOLUTIONS, _N_PARAMS, _N_NORMAL, _HASHMAP_SIZE = _grid_metadata()
_HASH_MASK = _HASHMAP_SIZE - 1
_P1 = 2654435761
_P2 = 805459861

_NBLK = -(-(-(-_N_PARAMS // 128)) // 8) * 8
_IVEC_LIST = _RESOLUTIONS + [r * r for r in _RESOLUTIONS] + _OFFSETS


def _body(pvec_hbm, tab_hbm, out_hbm, pvec_v, widx_v, vals_v, out_v,
          sidx_v, sem):
    cid = lax.axis_index("c")
    sid = lax.axis_index("s")

    @pl.when(sid == 0)
    def _():
        pltpu.sync_copy(pvec_hbm, pvec_v)
        res_v = pvec_v[pl.ds(0, 16)]
        res2_v = pvec_v[pl.ds(16, 16)]
        offs_v = pvec_v[pl.ds(32, 16)]
        xs = plsc.bitcast(pvec_v[pl.ds(48, 16)], jnp.float32)
        ys = plsc.bitcast(pvec_v[pl.ds(64, 16)], jnp.float32)
        zs = plsc.bitcast(pvec_v[pl.ds(80, 16)], jnp.float32)
        scales_v = plsc.bitcast(pvec_v[pl.ds(96, 16)], jnp.float32)
        lvl = lax.iota(jnp.int32, 16)
        use_hash = lvl >= _N_NORMAL

        def axis_setup(coord):
            pos = scales_v * coord + jnp.float32(0.5)
            base = pos.astype(jnp.int32)
            frac = pos - base.astype(jnp.float32)
            return base, frac

        bx, fx = axis_setup(xs)
        by, fy = axis_setup(ys)
        bz, fz = axis_setup(zs)

        weights = []
        copies = []
        for c in range(8):
            ix, iy, iz = (c >> 2) & 1, (c >> 1) & 1, c & 1
            cx = bx + ix
            cy = by + iy
            cz = bz + iz
            dense = cx + cy * res_v + cz * res2_v
            h = (cx.astype(jnp.uint32)
                 ^ (cy.astype(jnp.uint32) * jnp.uint32(_P1))
                 ^ (cz.astype(jnp.uint32) * jnp.uint32(_P2)))
            h = (h & jnp.uint32(_HASH_MASK)).astype(jnp.int32)
            idx = jnp.where(use_hash, h, dense) + offs_v
            widx_v[pl.ds(c * 16, 16)] = ((idx >> 7) * 256 + (idx & 127)
                                         + cid * 128)
            copies.append(pltpu.async_copy(
                tab_hbm.at[widx_v.at[pl.ds(c * 16, 16)]],
                vals_v.at[pl.ds(c * 16, 16)], sem))
            wx = fx if ix else (jnp.float32(1.0) - fx)
            wy = fy if iy else (jnp.float32(1.0) - fy)
            wz = fz if iz else (jnp.float32(1.0) - fz)
            weights.append(wx * wy * wz)

        for cp in copies:
            cp.wait()

        iota = lax.iota(jnp.int32, 16)
        acc = jnp.zeros((16,), jnp.float32)
        for c in range(8):
            acc = acc + weights[c] * vals_v[pl.ds(c * 16, 16)]

        out_v[...] = acc
        sidx_v[...] = iota * 2 + cid
        pltpu.async_copy(out_v, out_hbm.at[sidx_v], sem).wait()


_hash_encode = functools.partial(
    pl.kernel,
    mesh=plsc.VectorSubcoreMesh(core_axis_name="c", subcore_axis_name="s"),
    out_type=jax.ShapeDtypeStruct((32,), jnp.float32),
    compiler_params=pltpu.CompilerParams(needs_layout_passes=False),
    scratch_types=[
        pltpu.VMEM((112,), jnp.int32),
        pltpu.VMEM((128,), jnp.int32),
        pltpu.VMEM((128,), jnp.float32),
        pltpu.VMEM((16,), jnp.float32),
        pltpu.VMEM((16,), jnp.int32),
        pltpu.SemaphoreType.DMA,
    ],
)(_body)


def kernel(inputs, grid):
    pvec = jnp.concatenate(
        [jnp.asarray(_IVEC_LIST, dtype=jnp.int32),
         jax.lax.bitcast_convert_type(
             jnp.repeat(inputs.astype(jnp.float32), 16), jnp.int32),
         jax.lax.bitcast_convert_type(
             jnp.asarray(_SCALES, dtype=jnp.float32), jnp.int32)])
    gp = jnp.pad(grid, ((0, _NBLK * 128 - _N_PARAMS), (0, 0)))
    tab = jnp.transpose(gp.reshape(_NBLK, 128, 2), (0, 2, 1)).reshape(_NBLK * 256)
    return _hash_encode(pvec, tab)

# --- scband reference (transcript-rebuilt; emitter-appended) ---
"""Pipeline reference for scband-hash-encoding-53618371723964 (READ-ONLY COPY).

The authoritative reference and input builder live on the scoring server;
editing this copy changes nothing except your own understanding.
"""

import math
from itertools import product
import jax, jax.numpy as jnp
import numpy as np

LOG2_HASHMAP_SIZE = 19
BASE_RESOLUTION = 16
N_LEVELS = 16


def _metadata():
    per_level_scale = math.exp(math.log(2048 * 1 / BASE_RESOLUTION) / (N_LEVELS - 1))
    hashmap_size = round(math.pow(2, LOG2_HASHMAP_SIZE))
    offsets, scales, resolutions = [], [], []
    n_params = 0
    n_levels_normal = 0
    for i in range(N_LEVELS):
        scale = math.pow(2.0, i * math.log2(per_level_scale)) * BASE_RESOLUTION - 1.0
        grid_resolution = int(math.ceil(scale)) + 1
        params_in_level = math.pow(grid_resolution, 3)
        params_in_level = math.ceil(params_in_level / 8) * 8
        params_in_level = min(params_in_level, hashmap_size)
        params_in_level = int(params_in_level)
        if math.pow(grid_resolution, 3) <= params_in_level:
            n_levels_normal += 1
        offsets.append(n_params)
        scales.append(scale)
        resolutions.append(grid_resolution)
        n_params += params_in_level
    return offsets, scales, resolutions, n_params, n_levels_normal, hashmap_size


def _hash_index(hashmap_size, grid_local, grid_resolution):
    primes = jnp.asarray([1, 2654435761, 805459861], dtype=jnp.uint32)
    index = primes * grid_local
    index = jax.lax.bitwise_xor(jax.lax.bitwise_xor(index[:, 0], index[:, 1]), index[:, 2])
    index = index % jnp.uint32(hashmap_size)
    return index


def _normal_index(grid_local, grid_resolution):
    stride = jnp.asarray([1, grid_resolution, grid_resolution * grid_resolution], dtype=jnp.uint32)
    return jnp.sum(grid_local * stride, axis=1)


def setup_inputs(seed: int = 0) -> dict:
    offsets, scales, resolutions, n_params, n_levels_normal, hashmap_size = _metadata()
    key = jax.random.key(seed)
    k1, k2 = jax.random.split(key)
    inputs = jax.random.uniform(k1, (3,), dtype=jnp.float32)
    grid = jax.random.uniform(k2, (n_params, 2), minval=-0.0001, maxval=0.0001, dtype=jnp.float32)
    return {"inputs": inputs, "grid": grid}


def _encode(inputs, grid):
    offsets, scales, resolutions, n_params, n_levels_normal, hashmap_size = _metadata()
    results = []
    for i in range(N_LEVELS):
        pos = jnp.float32(scales[i]) * inputs + 0.5
        temp = jnp.floor(pos)
        pos_grid = jnp.uint32(temp)
        frac = pos - temp
        pos_grid_local = list(product([pos_grid[0], pos_grid[0] + 1],
                                      [pos_grid[1], pos_grid[1] + 1],
                                      [pos_grid[2], pos_grid[2] + 1]))
        pos_grid_local = jnp.array(pos_grid_local)
        weight = list(product([1 - frac[0], frac[0]],
                              [1 - frac[1], frac[1]],
                              [1 - frac[2], frac[2]]))
        weight = jnp.array(weight)
        weight = jnp.prod(weight, axis=1)
        if i < n_levels_normal:
            index = _normal_index(pos_grid_local, resolutions[i])
        else:
            index = _hash_index(hashmap_size, pos_grid_local, resolutions[i])
        index = index + jnp.uint32(offsets[i])
        value = grid[index]
        results.append(jnp.sum(value * weight[:, jnp.newaxis], axis=0))
    return jnp.reshape(jnp.stack(results, axis=0), (32,))


def reference(inputs, grid):
    return _encode(inputs, grid)

if __name__ == "__main__":
    import jax
    _d = setup_inputs()
    print(jax.jit(kernel)(*tuple(_d.values())))

</pallas_src>

<mosaic_0001>
#map = affine_map<(d0, d1) -> (0)>
module attributes {stable_mosaic.version = 14 : i64} {
  func.func @_body(%arg0: i32, %arg1: i32, %arg2: memref<112xi32, #tpu.memory_space<hbm>>, %arg3: memref<12197888xf32, #tpu.memory_space<hbm>>, %arg4: memref<32xf32, #tpu.memory_space<hbm>>, %arg5: memref<112xi32, #tpu.memory_space<vmem>>, %arg6: memref<128xi32, #tpu.memory_space<vmem>>, %arg7: memref<128xf32, #tpu.memory_space<vmem>>, %arg8: memref<16xf32, #tpu.memory_space<vmem>>, %arg9: memref<16xi32, #tpu.memory_space<vmem>>, %arg10: memref<!tpu.dma_semaphore, #tpu.memory_space<semaphore_mem>>) attributes {dimension_semantics = [#tpu.dimension_semantics<core_parallel>, #tpu.dimension_semantics<subcore_parallel>], iteration_bounds = array<i64: 2, 16>, scalar_prefetch = 0 : i64, scratch_operands = 6 : i64, tpu.core_type = #tpu.core_type<sc_vector_subcore>, window_params = [{transform_indices = #map}, {transform_indices = #map}, {transform_indices = #map}]} {
    %eq3A = arith.constant 0 : i32
    %eq3A_0 = arith.cmpi eq, %arg1, %eq3A : i32
    %convert_element_type3A = arith.extui %eq3A_0 : i1 to i32
    %cond3A = arith.constant 0 : i32
    %cond3A_1 = arith.cmpi ne, %convert_element_type3A, %cond3A : i32
    scf.if %cond3A_1 {
      "tpu.region"() ({
        %run_scoped3A = tpu.sem_alloc : memref<!tpu.dma_semaphore, #tpu.memory_space<semaphore_mem>>
        tpu.enqueue_dma source(%arg2 : memref<112xi32, #tpu.memory_space<hbm>>) target(%arg5 : memref<112xi32, #tpu.memory_space<vmem>>) target_semaphore(%run_scoped3A : memref<!tpu.dma_semaphore, #tpu.memory_space<semaphore_mem>>)
        tpu.wait_dma2 semaphore(%run_scoped3A : memref<!tpu.dma_semaphore, #tpu.memory_space<semaphore_mem>>) src(%arg2 : memref<112xi32, #tpu.memory_space<hbm>>) dst(%arg5 : memref<112xi32, #tpu.memory_space<vmem>>)
        tpu.yield
      }) : () -> ()
      %get3A = arith.constant 0 : index
      %get3A_2 = tpu.vector_load %arg5[%get3A] {strides = array<i32>} : memref<112xi32, #tpu.memory_space<vmem>>, vector<16xi32>,
      %get3A_3 = arith.constant 16 : index
      %get3A_4 = tpu.vector_load %arg5[%get3A_3] {strides = array<i32>} : memref<112xi32, #tpu.memory_space<vmem>>, vector<16xi32>,
      %get3A_5 = arith.constant 32 : index
      %get3A_6 = tpu.vector_load %arg5[%get3A_5] {strides = array<i32>} : memref<112xi32, #tpu.memory_space<vmem>>, vector<16xi32>,
      %get3A_7 = arith.constant 48 : index
      %get3A_8 = tpu.vector_load %arg5[%get3A_7] {strides = array<i32>} : memref<112xi32, #tpu.memory_space<vmem>>, vector<16xi32>,
      %bitcast3A = vector.bitcast %get3A_8 : vector<16xi32> to vector<16xf32>
      %get3A_9 = arith.constant 64 : index
      %get3A_10 = tpu.vector_load %arg5[%get3A_9] {strides = array<i32>} : memref<112xi32, #tpu.memory_space<vmem>>, vector<16xi32>,
      %bitcast3A_11 = vector.bitcast %get3A_10 : vector<16xi32> to vector<16xf32>
      %get3A_12 = arith.constant 80 : index
      %get3A_13 = tpu.vector_load %arg5[%get3A_12] {strides = array<i32>} : memref<112xi32, #tpu.memory_space<vmem>>, vector<16xi32>,
      %bitcast3A_14 = vector.bitcast %get3A_13 : vector<16xi32> to vector<16xf32>
      %get3A_15 = arith.constant 96 : index
      %get3A_16 = tpu.vector_load %arg5[%get3A_15] {strides = array<i32>} : memref<112xi32, #tpu.memory_space<vmem>>, vector<16xi32>,
      %bitcast3A_17 = vector.bitcast %get3A_16 : vector<16xi32> to vector<16xf32>
      %iota3A = tpu.iota {dimensions = array<i32: 0>} : vector<16xi32>
      %ge3A = arith.constant 5 : i32
      %ge3A_18 = vector.broadcast %ge3A : i32 to vector<16xi32>
      %ge3A_19 = arith.cmpi sge, %iota3A, %ge3A_18 : vector<16xi32>
      %mul3A = arith.mulf %bitcast3A_17, %bitcast3A : vector<16xf32>
      %add3A = arith.constant 5.000000e-01 : f32
      %add3A_20 = vector.broadcast %add3A : f32 to vector<16xf32>
      %add3A_21 = arith.addf %mul3A, %add3A_20 : vector<16xf32>
      %convert_element_type3A_22 = arith.fptosi %add3A_21 : vector<16xf32> to vector<16xi32>
      %convert_element_type3A_23 = arith.sitofp %convert_element_type3A_22 : vector<16xi32> to vector<16xf32>
      %sub3A = arith.subf %add3A_21, %convert_element_type3A_23 : vector<16xf32>
      %mul3A_24 = arith.mulf %bitcast3A_17, %bitcast3A_11 : vector<16xf32>
      %add3A_25 = arith.constant 5.000000e-01 : f32
      %add3A_26 = vector.broadcast %add3A_25 : f32 to vector<16xf32>
      %add3A_27 = arith.addf %mul3A_24, %add3A_26 : vector<16xf32>
      %convert_element_type3A_28 = arith.fptosi %add3A_27 : vector<16xf32> to vector<16xi32>
      %convert_element_type3A_29 = arith.sitofp %convert_element_type3A_28 : vector<16xi32> to vector<16xf32>
      %sub3A_30 = arith.subf %add3A_27, %convert_element_type3A_29 : vector<16xf32>
      %mul3A_31 = arith.mulf %bitcast3A_17, %bitcast3A_14 : vector<16xf32>
      %add3A_32 = arith.constant 5.000000e-01 : f32
      %add3A_33 = vector.broadcast %add3A_32 : f32 to vector<16xf32>
      %add3A_34 = arith.addf %mul3A_31, %add3A_33 : vector<16xf32>
      %convert_element_type3A_35 = arith.fptosi %add3A_34 : vector<16xf32> to vector<16xi32>
      %convert_element_type3A_36 = arith.sitofp %convert_element_type3A_35 : vector<16xi32> to vector<16xf32>
      %sub3A_37 = arith.subf %add3A_34, %convert_element_type3A_36 : vector<16xf32>
      %add3A_38 = arith.constant 0 : i32
      %add3A_39 = vector.broadcast %add3A_38 : i32 to vector<16xi32>
      %add3A_40 = arith.addi %convert_element_type3A_22, %add3A_39 : vector<16xi32>
      %add3A_41 = arith.constant 0 : i32
      %add3A_42 = vector.broadcast %add3A_41 : i32 to vector<16xi32>
      %add3A_43 = arith.addi %convert_element_type3A_28, %add3A_42 : vector<16xi32>
      %add3A_44 = arith.constant 0 : i32
      %add3A_45 = vector.broadcast %add3A_44 : i32 to vector<16xi32>
      %add3A_46 = arith.addi %convert_element_type3A_35, %add3A_45 : vector<16xi32>
      %mul3A_47 = arith.muli %add3A_43, %get3A_2 : vector<16xi32>
      %add3A_48 = arith.addi %add3A_40, %mul3A_47 : vector<16xi32>
      %mul3A_49 = arith.muli %add3A_46, %get3A_4 : vector<16xi32>
      %add3A_50 = arith.addi %add3A_48, %mul3A_49 : vector<16xi32>
      %mul3A_51 = arith.constant -1640531535 : i32
      %mul3A_52 = vector.broadcast %mul3A_51 : i32 to vector<16xi32>
      %mul3A_53 = arith.muli %add3A_43, %mul3A_52 : vector<16xi32>
      %xor3A = arith.xori %add3A_40, %mul3A_53 : vector<16xi32>
      %mul3A_54 = arith.constant 805459861 : i32
      %mul3A_55 = vector.broadcast %mul3A_54 : i32 to vector<16xi32>
      %mul3A_56 = arith.muli %add3A_46, %mul3A_55 : vector<16xi32>
      %xor3A_57 = arith.xori %xor3A, %mul3A_56 : vector<16xi32>
      %and3A = arith.constant 524287 : i32
      %and3A_58 = vector.broadcast %and3A : i32 to vector<16xi32>
      %and3A_59 = arith.andi %xor3A_57, %and3A_58 : vector<16xi32>
      %select_n3A = arith.select %ge3A_19, %and3A_59, %add3A_50 : vector<16xi1>, vector<16xi32>
      %add3A_60 = arith.addi %select_n3A, %get3A_6 : vector<16xi32>
      %shift_right_arithmetic3A = arith.constant 7 : i32
      %shift_right_arithmetic3A_61 = vector.broadcast %shift_right_arithmetic3A : i32 to vector<16xi32>
      %shift_right_arithmetic3A_62 = arith.shrsi %add3A_60, %shift_right_arithmetic3A_61 : vector<16xi32>
      %mul3A_63 = arith.constant 256 : i32
      %mul3A_64 = vector.broadcast %mul3A_63 : i32 to vector<16xi32>
      %mul3A_65 = arith.muli %shift_right_arithmetic3A_62, %mul3A_64 : vector<16xi32>
      %and3A_66 = arith.constant 127 : i32
      %and3A_67 = vector.broadcast %and3A_66 : i32 to vector<16xi32>
      %and3A_68 = arith.andi %add3A_60, %and3A_67 : vector<16xi32>
      %add3A_69 = arith.addi %mul3A_65, %and3A_68 : vector<16xi32>
      %mul3A_70 = arith.constant 128 : i32
      %mul3A_71 = arith.muli %arg0, %mul3A_70 : i32
      %add3A_72 = vector.broadcast %mul3A_71 : i32 to vector<16xi32>
      %add3A_73 = arith.addi %add3A_69, %add3A_72 : vector<16xi32>
      %swap3A = arith.constant 0 : index
      %swap3A_74 = tpu.vector_load %arg6[%swap3A] {strides = array<i32>} : memref<128xi32, #tpu.memory_space<vmem>>, vector<16xi32>,
      tpu.vector_store %arg6[%swap3A], %add3A_73 {strides = array<i32>} : memref<128xi32, #tpu.memory_space<vmem>>, vector<16xi32>,
      %dma_start3A = arith.constant 0 : i32
      %dma_start3A_75 = tpu.memref_slice %arg7[%dma_start3A] : memref<128xf32, #tpu.memory_space<vmem>> -> memref<16xf32, #tpu.memory_space<vmem>>
      %dma_start3A_76 = arith.constant 0 : i32
      %dma_start3A_77 = tpu.memref_slice %arg6[%dma_start3A_76] : memref<128xi32, #tpu.memory_space<vmem>> -> memref<16xi32, #tpu.memory_space<vmem>>
      %dma_start3A_78 = arith.constant 0 : i32
      %dma_start3A_79 = tpu.memref_slice %arg3[%dma_start3A_78] : memref<12197888xf32, #tpu.memory_space<hbm>> -> memref<12197888xf32, #tpu.memory_space<hbm>>
      tpu.enqueue_indirect_dma source(%dma_start3A_79 : memref<12197888xf32, #tpu.memory_space<hbm>>) target(%dma_start3A_75 : memref<16xf32, #tpu.memory_space<vmem>>) offsets(%dma_start3A_77 : memref<16xi32, #tpu.memory_space<vmem>>) semaphore(%arg10 : memref<!tpu.dma_semaphore, #tpu.memory_space<semaphore_mem>>)
      %sub3A_80 = arith.constant 1.000000e+00 : f32
      %sub3A_81 = vector.broadcast %sub3A_80 : f32 to vector<16xf32>
      %sub3A_82 = arith.subf %sub3A_81, %sub3A : vector<16xf32>
      %sub3A_83 = arith.constant 1.000000e+00 : f32
      %sub3A_84 = vector.broadcast %sub3A_83 : f32 to vector<16xf32>
      %sub3A_85 = arith.subf %sub3A_84, %sub3A_30 : vector<16xf32>
      %sub3A_86 = arith.constant 1.000000e+00 : f32
      %sub3A_87 = vector.broadcast %sub3A_86 : f32 to vector<16xf32>
      %sub3A_88 = arith.subf %sub3A_87, %sub3A_37 : vector<16xf32>
      %mul3A_89 = arith.mulf %sub3A_82, %sub3A_85 : vector<16xf32>
      %mul3A_90 = arith.mulf %mul3A_89, %sub3A_88 : vector<16xf32>
      %add3A_91 = arith.constant 0 : i32
      %add3A_92 = vector.broadcast %add3A_91 : i32 to vector<16xi32>
      %add3A_93 = arith.addi %convert_element_type3A_22, %add3A_92 : vector<16xi32>
      %add3A_94 = arith.constant 0 : i32
      %add3A_95 = vector.broadcast %add3A_94 : i32 to vector<16xi32>
      %add3A_96 = arith.addi %convert_element_type3A_28, %add3A_95 : vector<16xi32>
      %add3A_97 = arith.constant 1 : i32
      %add3A_98 = vector.broadcast %add3A_97 : i32 to vector<16xi32>
      %add3A_99 = arith.addi %convert_element_type3A_35, %add3A_98 : vector<16xi32>
      %mul3A_100 = arith.muli %add3A_96, %get3A_2 : vector<16xi32>
      %add3A_101 = arith.addi %add3A_93, %mul3A_100 : vector<16xi32>
      %mul3A_102 = arith.muli %add3A_99, %get3A_4 : vector<16xi32>
      %add3A_103 = arith.addi %add3A_101, %mul3A_102 : vector<16xi32>
      %mul3A_104 = arith.constant -1640531535 : i32
      %mul3A_105 = vector.broadcast %mul3A_104 : i32 to vector<16xi32>
      %mul3A_106 = arith.muli %add3A_96, %mul3A_105 : vector<16xi32>
      %xor3A_107 = arith.xori %add3A_93, %mul3A_106 : vector<16xi32>
      %mul3A_108 = arith.constant 805459861 : i32
      %mul3A_109 = vector.broadcast %mul3A_108 : i32 to vector<16xi32>
      %mul3A_110 = arith.muli %add3A_99, %mul3A_109 : vector<16xi32>
      %xor3A_111 = arith.xori %xor3A_107, %mul3A_110 : vector<16xi32>
      %and3A_112 = arith.constant 524287 : i32
      %and3A_113 = vector.broadcast %and3A_112 : i32 to vector<16xi32>
      %and3A_114 = arith.andi %xor3A_111, %and3A_113 : vector<16xi32>
      %select_n3A_115 = arith.select %ge3A_19, %and3A_114, %add3A_103 : vector<16xi1>, vector<16xi32>
      %add3A_116 = arith.addi %select_n3A_115, %get3A_6 : vector<16xi32>
      %shift_right_arithmetic3A_117 = arith.constant 7 : i32
      %shift_right_arithmetic3A_118 = vector.broadcast %shift_right_arithmetic3A_117 : i32 to vector<16xi32>
      %shift_right_arithmetic3A_119 = arith.shrsi %add3A_116, %shift_right_arithmetic3A_118 : vector<16xi32>
      %mul3A_120 = arith.constant 256 : i32
      %mul3A_121 = vector.broadcast %mul3A_120 : i32 to vector<16xi32>
      %mul3A_122 = arith.muli %shift_right_arithmetic3A_119, %mul3A_121 : vector<16xi32>
      %and3A_123 = arith.constant 127 : i32
      %and3A_124 = vector.broadcast %and3A_123 : i32 to vector<16xi32>
      %and3A_125 = arith.andi %add3A_116, %and3A_124 : vector<16xi32>
      %add3A_126 = arith.addi %mul3A_122, %and3A_125 : vector<16xi32>
      %mul3A_127 = arith.constant 128 : i32
      %mul3A_128 = arith.muli %arg0, %mul3A_127 : i32
      %add3A_129 = vector.broadcast %mul3A_128 : i32 to vector<16xi32>
      %add3A_130 = arith.addi %add3A_126, %add3A_129 : vector<16xi32>
      %swap3A_131 = arith.constant 16 : index
      %swap3A_132 = tpu.vector_load %arg6[%swap3A_131] {strides = array<i32>} : memref<128xi32, #tpu.memory_space<vmem>>, vector<16xi32>,
      tpu.vector_store %arg6[%swap3A_131], %add3A_130 {strides = array<i32>} : memref<128xi32, #tpu.memory_space<vmem>>, vector<16xi32>,
      %dma_start3A_133 = arith.constant 16 : i32
      %dma_start3A_134 = tpu.memref_slice %arg7[%dma_start3A_133] : memref<128xf32, #tpu.memory_space<vmem>> -> memref<16xf32, #tpu.memory_space<vmem>>
      %dma_start3A_135 = arith.constant 16 : i32
      %dma_start3A_136 = tpu.memref_slice %arg6[%dma_start3A_135] : memref<128xi32, #tpu.memory_space<vmem>> -> memref<16xi32, #tpu.memory_space<vmem>>
      %dma_start3A_137 = arith.constant 0 : i32
      %dma_start3A_138 = tpu.memref_slice %arg3[%dma_start3A_137] : memref<12197888xf32, #tpu.memory_space<hbm>> -> memref<12197888xf32, #tpu.memory_space<hbm>>
      tpu.enqueue_indirect_dma source(%dma_start3A_138 : memref<12197888xf32, #tpu.memory_space<hbm>>) target(%dma_start3A_134 : memref<16xf32, #tpu.memory_space<vmem>>) offsets(%dma_start3A_136 : memref<16xi32, #tpu.memory_space<vmem>>) semaphore(%arg10 : memref<!tpu.dma_semaphore, #tpu.memory_space<semaphore_mem>>)
      %sub3A_139 = arith.constant 1.000000e+00 : f32
      %sub3A_140 = vector.broadcast %sub3A_139 : f32 to vector<16xf32>
      %sub3A_141 = arith.subf %sub3A_140, %sub3A : vector<16xf32>
      %sub3A_142 = arith.constant 1.000000e+00 : f32
      %sub3A_143 = vector.broadcast %sub3A_142 : f32 to vector<16xf32>
      %sub3A_144 = arith.subf %sub3A_143, %sub3A_30 : vector<16xf32>
      %mul3A_145 = arith.mulf %sub3A_141, %sub3A_144 : vector<16xf32>
      %mul3A_146 = arith.mulf %mul3A_145, %sub3A_37 : vector<16xf32>
      %add3A_147 = arith.constant 0 : i32
      %add3A_148 = vector.broadcast %add3A_147 : i32 to vector<16xi32>
      %add3A_149 = arith.addi %convert_element_type3A_22, %add3A_148 : vector<16xi32>
      %add3A_150 = arith.constant 1 : i32
      %add3A_151 = vector.broadcast %add3A_150 : i32 to vector<16xi32>
      %add3A_152 = arith.addi %convert_element_type3A_28, %add3A_151 : vector<16xi32>
      %add3A_153 = arith.constant 0 : i32
      %add3A_154 = vector.broadcast %add3A_153 : i32 to vector<16xi32>
      %add3A_155 = arith.addi %convert_element_type3A_35, %add3A_154 : vector<16xi32>
      %mul3A_156 = arith.muli %add3A_152, %get3A_2 : vector<16xi32>
      %add3A_157 = arith.addi %add3A_149, %mul3A_156 : vector<16xi32>
      %mul3A_158 = arith.muli %add3A_155, %get3A_4 : vector<16xi32>
      %add3A_159 = arith.addi %add3A_157, %mul3A_158 : vector<16xi32>
      %mul3A_160 = arith.constant -1640531535 : i32
      %mul3A_161 = vector.broadcast %mul3A_160 : i32 to vector<16xi32>
      %mul3A_162 = arith.muli %add3A_152, %mul3A_161 : vector<16xi32>
      %xor3A_163 = arith.xori %add3A_149, %mul3A_162 : vector<16xi32>
      %mul3A_164 = arith.constant 805459861 : i32
      %mul3A_165 = vector.broadcast %mul3A_164 : i32 to vector<16xi32>
      %mul3A_166 = arith.muli %add3A_155, %mul3A_165 : vector<16xi32>
      %xor3A_167 = arith.xori %xor3A_163, %mul3A_166 : vector<16xi32>
      %and3A_168 = arith.constant 524287 : i32
      %and3A_169 = vector.broadcast %and3A_168 : i32 to vector<16xi32>
      %and3A_170 = arith.andi %xor3A_167, %and3A_169 : vector<16xi32>
      %select_n3A_171 = arith.select %ge3A_19, %and3A_170, %add3A_159 : vector<16xi1>, vector<16xi32>
      %add3A_172 = arith.addi %select_n3A_171, %get3A_6 : vector<16xi32>
      %shift_right_arithmetic3A_173 = arith.constant 7 : i32
      %shift_right_arithmetic3A_174 = vector.broadcast %shift_right_arithmetic3A_173 : i32 to vector<16xi32>
      %shift_right_arithmetic3A_175 = arith.shrsi %add3A_172, %shift_right_arithmetic3A_174 : vector<16xi32>
      %mul3A_176 = arith.constant 256 : i32
      %mul3A_177 = vector.broadcast %mul3A_176 : i32 to vector<16xi32>
      %mul3A_178 = arith.muli %shift_right_arithmetic3A_175, %mul3A_177 : vector<16xi32>
      %and3A_179 = arith.constant 127 : i32
      %and3A_180 = vector.broadcast %and3A_179 : i32 to vector<16xi32>
      %and3A_181 = arith.andi %add3A_172, %and3A_180 : vector<16xi32>
      %add3A_182 = arith.addi %mul3A_178, %and3A_181 : vector<16xi32>
      %mul3A_183 = arith.constant 128 : i32
      %mul3A_184 = arith.muli %arg0, %mul3A_183 : i32
      %add3A_185 = vector.broadcast %mul3A_184 : i32 to vector<16xi32>
      %add3A_186 = arith.addi %add3A_182, %add3A_185 : vector<16xi32>
      %swap3A_187 = arith.constant 32 : index
      %swap3A_188 = tpu.vector_load %arg6[%swap3A_187] {strides = array<i32>} : memref<128xi32, #tpu.memory_space<vmem>>, vector<16xi32>,
      tpu.vector_store %arg6[%swap3A_187], %add3A_186 {strides = array<i32>} : memref<128xi32, #tpu.memory_space<vmem>>, vector<16xi32>,
      %dma_start3A_189 = arith.constant 32 : i32
      %dma_start3A_190 = tpu.memref_slice %arg7[%dma_start3A_189] : memref<128xf32, #tpu.memory_space<vmem>> -> memref<16xf32, #tpu.memory_space<vmem>>
      %dma_start3A_191 = arith.constant 32 : i32
      %dma_start3A_192 = tpu.memref_slice %arg6[%dma_start3A_191] : memref<128xi32, #tpu.memory_space<vmem>> -> memref<16xi32, #tpu.memory_space<vmem>>
      %dma_start3A_193 = arith.constant 0 : i32
      %dma_start3A_194 = tpu.memref_slice %arg3[%dma_start3A_193] : memref<12197888xf32, #tpu.memory_space<hbm>> -> memref<12197888xf32, #tpu.memory_space<hbm>>
      tpu.enqueue_indirect_dma source(%dma_start3A_194 : memref<12197888xf32, #tpu.memory_space<hbm>>) target(%dma_start3A_190 : memref<16xf32, #tpu.memory_space<vmem>>) offsets(%dma_start3A_192 : memref<16xi32, #tpu.memory_space<vmem>>) semaphore(%arg10 : memref<!tpu.dma_semaphore, #tpu.memory_space<semaphore_mem>>)
      %sub3A_195 = arith.constant 1.000000e+00 : f32
      %sub3A_196 = vector.broadcast %sub3A_195 : f32 to vector<16xf32>
      %sub3A_197 = arith.subf %sub3A_196, %sub3A : vector<16xf32>
      %sub3A_198 = arith.constant 1.000000e+00 : f32
      %sub3A_199 = vector.broadcast %sub3A_198 : f32 to vector<16xf32>
      %sub3A_200 = arith.subf %sub3A_199, %sub3A_37 : vector<16xf32>
      %mul3A_201 = arith.mulf %sub3A_197, %sub3A_30 : vector<16xf32>
      %mul3A_202 = arith.mulf %mul3A_201, %sub3A_200 : vector<16xf32>
      %add3A_203 = arith.constant 0 : i32
      %add3A_204 = vector.broadcast %add3A_203 : i32 to vector<16xi32>
      %add3A_205 = arith.addi %convert_element_type3A_22, %add3A_204 : vector<16xi32>
      %add3A_206 = arith.constant 1 : i32
      %add3A_207 = vector.broadcast %add3A_206 : i32 to vector<16xi32>
      %add3A_208 = arith.addi %convert_element_type3A_28, %add3A_207 : vector<16xi32>
      %add3A_209 = arith.constant 1 : i32
      %add3A_210 = vector.broadcast %add3A_209 : i32 to vector<16xi32>
      %add3A_211 = arith.addi %convert_element_type3A_35, %add3A_210 : vector<16xi32>
      %mul3A_212 = arith.muli %add3A_208, %get3A_2 : vector<16xi32>
      %add3A_213 = arith.addi %add3A_205, %mul3A_212 : vector<16xi32>
      %mul3A_214 = arith.muli %add3A_211, %get3A_4 : vector<16xi32>
      %add3A_215 = arith.addi %add3A_213, %mul3A_214 : vector<16xi32>
      %mul3A_216 = arith.constant -1640531535 : i32
      %mul3A_217 = vector.broadcast %mul3A_216 : i32 to vector<16xi32>
      %mul3A_218 = arith.muli %add3A_208, %mul3A_217 : vector<16xi32>
      %xor3A_219 = arith.xori %add3A_205, %mul3A_218 : vector<16xi32>
      %mul3A_220 = arith.constant 805459861 : i32
      %mul3A_221 = vector.broadcast %mul3A_220 : i32 to vector<16xi32>
      %mul3A_222 = arith.muli %add3A_211, %mul3A_221 : vector<16xi32>
      %xor3A_223 = arith.xori %xor3A_219, %mul3A_222 : vector<16xi32>
      %and3A_224 = arith.constant 524287 : i32
      %and3A_225 = vector.broadcast %and3A_224 : i32 to vector<16xi32>
      %and3A_226 = arith.andi %xor3A_223, %and3A_225 : vector<16xi32>
      %select_n3A_227 = arith.select %ge3A_19, %and3A_226, %add3A_215 : vector<16xi1>, vector<16xi32>
      %add3A_228 = arith.addi %select_n3A_227, %get3A_6 : vector<16xi32>
      %shift_right_arithmetic3A_229 = arith.constant 7 : i32
      %shift_right_arithmetic3A_230 = vector.broadcast %shift_right_arithmetic3A_229 : i32 to vector<16xi32>
      %shift_right_arithmetic3A_231 = arith.shrsi %add3A_228, %shift_right_arithmetic3A_230 : vector<16xi32>
      %mul3A_232 = arith.constant 256 : i32
      %mul3A_233 = vector.broadcast %mul3A_232 : i32 to vector<16xi32>
      %mul3A_234 = arith.muli %shift_right_arithmetic3A_231, %mul3A_233 : vector<16xi32>
      %and3A_235 = arith.constant 127 : i32
      %and3A_236 = vector.broadcast %and3A_235 : i32 to vector<16xi32>
      %and3A_237 = arith.andi %add3A_228, %and3A_236 : vector<16xi32>
      %add3A_238 = arith.addi %mul3A_234, %and3A_237 : vector<16xi32>
      %mul3A_239 = arith.constant 128 : i32
      %mul3A_240 = arith.muli %arg0, %mul3A_239 : i32
      %add3A_241 = vector.broadcast %mul3A_240 : i32 to vector<16xi32>
      %add3A_242 = arith.addi %add3A_238, %add3A_241 : vector<16xi32>
      %swap3A_243 = arith.constant 48 : index
      %swap3A_244 = tpu.vector_load %arg6[%swap3A_243] {strides = array<i32>} : memref<128xi32, #tpu.memory_space<vmem>>, vector<16xi32>,
      tpu.vector_store %arg6[%swap3A_243], %add3A_242 {strides = array<i32>} : memref<128xi32, #tpu.memory_space<vmem>>, vector<16xi32>,
      %dma_start3A_245 = arith.constant 48 : i32
      %dma_start3A_246 = tpu.memref_slice %arg7[%dma_start3A_245] : memref<128xf32, #tpu.memory_space<vmem>> -> memref<16xf32, #tpu.memory_space<vmem>>
      %dma_start3A_247 = arith.constant 48 : i32
      %dma_start3A_248 = tpu.memref_slice %arg6[%dma_start3A_247] : memref<128xi32, #tpu.memory_space<vmem>> -> memref<16xi32, #tpu.memory_space<vmem>>
      %dma_start3A_249 = arith.constant 0 : i32
      %dma_start3A_250 = tpu.memref_slice %arg3[%dma_start3A_249] : memref<12197888xf32, #tpu.memory_space<hbm>> -> memref<12197888xf32, #tpu.memory_space<hbm>>
      tpu.enqueue_indirect_dma source(%dma_start3A_250 : memref<12197888xf32, #tpu.memory_space<hbm>>) target(%dma_start3A_246 : memref<16xf32, #tpu.memory_space<vmem>>) offsets(%dma_start3A_248 : memref<16xi32, #tpu.memory_space<vmem>>) semaphore(%arg10 : memref<!tpu.dma_semaphore, #tpu.memory_space<semaphore_mem>>)
      %sub3A_251 = arith.constant 1.000000e+00 : f32
      %sub3A_252 = vector.broadcast %sub3A_251 : f32 to vector<16xf32>
      %sub3A_253 = arith.subf %sub3A_252, %sub3A : vector<16xf32>
      %mul3A_254 = arith.mulf %sub3A_253, %sub3A_30 : vector<16xf32>
      %mul3A_255 = arith.mulf %mul3A_254, %sub3A_37 : vector<16xf32>
      %add3A_256 = arith.constant 1 : i32
      %add3A_257 = vector.broadcast %add3A_256 : i32 to vector<16xi32>
      %add3A_258 = arith.addi %convert_element_type3A_22, %add3A_257 : vector<16xi32>
      %add3A_259 = arith.constant 0 : i32
      %add3A_260 = vector.broadcast %add3A_259 : i32 to vector<16xi32>
      %add3A_261 = arith.addi %convert_element_type3A_28, %add3A_260 : vector<16xi32>
      %add3A_262 = arith.constant 0 : i32
      %add3A_263 = vector.broadcast %add3A_262 : i32 to vector<16xi32>
      %add3A_264 = arith.addi %convert_element_type3A_35, %add3A_263 : vector<16xi32>
      %mul3A_265 = arith.muli %add3A_261, %get3A_2 : vector<16xi32>
      %add3A_266 = arith.addi %add3A_258, %mul3A_265 : vector<16xi32>
      %mul3A_267 = arith.muli %add3A_264, %get3A_4 : vector<16xi32>
      %add3A_268 = arith.addi %add3A_266, %mul3A_267 : vector<16xi32>
      %mul3A_269 = arith.constant -1640531535 : i32
      %mul3A_270 = vector.broadcast %mul3A_269 : i32 to vector<16xi32>
      %mul3A_271 = arith.muli %add3A_261, %mul3A_270 : vector<16xi32>
      %xor3A_272 = arith.xori %add3A_258, %mul3A_271 : vector<16xi32>
      %mul3A_273 = arith.constant 805459861 : i32
      %mul3A_274 = vector.broadcast %mul3A_273 : i32 to vector<16xi32>
      %mul3A_275 = arith.muli %add3A_264, %mul3A_274 : vector<16xi32>
      %xor3A_276 = arith.xori %xor3A_272, %mul3A_275 : vector<16xi32>
      %and3A_277 = arith.constant 524287 : i32
      %and3A_278 = vector.broadcast %and3A_277 : i32 to vector<16xi32>
      %and3A_279 = arith.andi %xor3A_276, %and3A_278 : vector<16xi32>
      %select_n3A_280 = arith.select %ge3A_19, %and3A_279, %add3A_268 : vector<16xi1>, vector<16xi32>
      %add3A_281 = arith.addi %select_n3A_280, %get3A_6 : vector<16xi32>
      %shift_right_arithmetic3A_282 = arith.constant 7 : i32
      %shift_right_arithmetic3A_283 = vector.broadcast %shift_right_arithmetic3A_282 : i32 to vector<16xi32>
      %shift_right_arithmetic3A_284 = arith.shrsi %add3A_281, %shift_right_arithmetic3A_283 : vector<16xi32>
      %mul3A_285 = arith.constant 256 : i32
      %mul3A_286 = vector.broadcast %mul3A_285 : i32 to vector<16xi32>
      %mul3A_287 = arith.muli %shift_right_arithmetic3A_284, %mul3A_286 : vector<16xi32>
      %and3A_288 = arith.constant 127 : i32
      %and3A_289 = vector.broadcast %and3A_288 : i32 to vector<16xi32>
      %and3A_290 = arith.andi %add3A_281, %and3A_289 : vector<16xi32>
      %add3A_291 = arith.addi %mul3A_287, %and3A_290 : vector<16xi32>
      %mul3A_292 = arith.constant 128 : i32
      %mul3A_293 = arith.muli %arg0, %mul3A_292 : i32
      %add3A_294 = vector.broadcast %mul3A_293 : i32 to vector<16xi32>
      %add3A_295 = arith.addi %add3A_291, %add3A_294 : vector<16xi32>
      %swap3A_296 = arith.constant 64 : index
      %swap3A_297 = tpu.vector_load %arg6[%swap3A_296] {strides = array<i32>} : memref<128xi32, #tpu.memory_space<vmem>>, vector<16xi32>,
      tpu.vector_store %arg6[%swap3A_296], %add3A_295 {strides = array<i32>} : memref<128xi32, #tpu.memory_space<vmem>>, vector<16xi32>,
      %dma_start3A_298 = arith.constant 64 : i32
      %dma_start3A_299 = tpu.memref_slice %arg7[%dma_start3A_298] : memref<128xf32, #tpu.memory_space<vmem>> -> memref<16xf32, #tpu.memory_space<vmem>>
      %dma_start3A_300 = arith.constant 64 : i32
      %dma_start3A_301 = tpu.memref_slice %arg6[%dma_start3A_300] : memref<128xi32, #tpu.memory_space<vmem>> -> memref<16xi32, #tpu.memory_space<vmem>>
      %dma_start3A_302 = arith.constant 0 : i32
      %dma_start3A_303 = tpu.memref_slice %arg3[%dma_start3A_302] : memref<12197888xf32, #tpu.memory_space<hbm>> -> memref<12197888xf32, #tpu.memory_space<hbm>>
      tpu.enqueue_indirect_dma source(%dma_start3A_303 : memref<12197888xf32, #tpu.memory_space<hbm>>) target(%dma_start3A_299 : memref<16xf32, #tpu.memory_space<vmem>>) offsets(%dma_start3A_301 : memref<16xi32, #tpu.memory_space<vmem>>) semaphore(%arg10 : memref<!tpu.dma_semaphore, #tpu.memory_space<semaphore_mem>>)
      %sub3A_304 = arith.constant 1.000000e+00 : f32
      %sub3A_305 = vector.broadcast %sub3A_304 : f32 to vector<16xf32>
      %sub3A_306 = arith.subf %sub3A_305, %sub3A_30 : vector<16xf32>
      %sub3A_307 = arith.constant 1.000000e+00 : f32
      %sub3A_308 = vector.broadcast %sub3A_307 : f32 to vector<16xf32>
      %sub3A_309 = arith.subf %sub3A_308, %sub3A_37 : vector<16xf32>
      %mul3A_310 = arith.mulf %sub3A, %sub3A_306 : vector<16xf32>
      %mul3A_311 = arith.mulf %mul3A_310, %sub3A_309 : vector<16xf32>
      %add3A_312 = arith.constant 1 : i32
      %add3A_313 = vector.broadcast %add3A_312 : i32 to vector<16xi32>
      %add3A_314 = arith.addi %convert_element_type3A_22, %add3A_313 : vector<16xi32>
      %add3A_315 = arith.constant 0 : i32
      %add3A_316 = vector.broadcast %add3A_315 : i32 to vector<16xi32>
      %add3A_317 = arith.addi %convert_element_type3A_28, %add3A_316 : vector<16xi32>
      %add3A_318 = arith.constant 1 : i32
      %add3A_319 = vector.broadcast %add3A_318 : i32 to vector<16xi32>
      %add3A_320 = arith.addi %convert_element_type3A_35, %add3A_319 : vector<16xi32>
      %mul3A_321 = arith.muli %add3A_317, %get3A_2 : vector<16xi32>
      %add3A_322 = arith.addi %add3A_314, %mul3A_321 : vector<16xi32>
      %mul3A_323 = arith.muli %add3A_320, %get3A_4 : vector<16xi32>
      %add3A_324 = arith.addi %add3A_322, %mul3A_323 : vector<16xi32>
      %mul3A_325 = arith.constant -1640531535 : i32
      %mul3A_326 = vector.broadcast %mul3A_325 : i32 to vector<16xi32>
      %mul3A_327 = arith.muli %add3A_317, %mul3A_326 : vector<16xi32>
      %xor3A_328 = arith.xori %add3A_314, %mul3A_327 : vector<16xi32>
      %mul3A_329 = arith.constant 805459861 : i32
      %mul3A_330 = vector.broadcast %mul3A_329 : i32 to vector<16xi32>
      %mul3A_331 = arith.muli %add3A_320, %mul3A_330 : vector<16xi32>
      %xor3A_332 = arith.xori %xor3A_328, %mul3A_331 : vector<16xi32>
      %and3A_333 = arith.constant 524287 : i32
      %and3A_334 = vector.broadcast %and3A_333 : i32 to vector<16xi32>
      %and3A_335 = arith.andi %xor3A_332, %and3A_334 : vector<16xi32>
      %select_n3A_336 = arith.select %ge3A_19, %and3A_335, %add3A_324 : vector<16xi1>, vector<16xi32>
      %add3A_337 = arith.addi %select_n3A_336, %get3A_6 : vector<16xi32>
      %shift_right_arithmetic3A_338 = arith.constant 7 : i32
      %shift_right_arithmetic3A_339 = vector.broadcast %shift_right_arithmetic3A_338 : i32 to vector<16xi32>
      %shift_right_arithmetic3A_340 = arith.shrsi %add3A_337, %shift_right_arithmetic3A_339 : vector<16xi32>
      %mul3A_341 = arith.constant 256 : i32
      %mul3A_342 = vector.broadcast %mul3A_341 : i32 to vector<16xi32>
      %mul3A_343 = arith.muli %shift_right_arithmetic3A_340, %mul3A_342 : vector<16xi32>
      %and3A_344 = arith.constant 127 : i32
      %and3A_345 = vector.broadcast %and3A_344 : i32 to vector<16xi32>
      %and3A_346 = arith.andi %add3A_337, %and3A_345 : vector<16xi32>
      %add3A_347 = arith.addi %mul3A_343, %and3A_346 : vector<16xi32>
      %mul3A_348 = arith.constant 128 : i32
      %mul3A_349 = arith.muli %arg0, %mul3A_348 : i32
      %add3A_350 = vector.broadcast %mul3A_349 : i32 to vector<16xi32>
      %add3A_351 = arith.addi %add3A_347, %add3A_350 : vector<16xi32>
      %swap3A_352 = arith.constant 80 : index
      %swap3A_353 = tpu.vector_load %arg6[%swap3A_352] {strides = array<i32>} : memref<128xi32, #tpu.memory_space<vmem>>, vector<16xi32>,
      tpu.vector_store %arg6[%swap3A_352], %add3A_351 {strides = array<i32>} : memref<128xi32, #tpu.memory_space<vmem>>, vector<16xi32>,
      %dma_start3A_354 = arith.constant 80 : i32
      %dma_start3A_355 = tpu.memref_slice %arg7[%dma_start3A_354] : memref<128xf32, #tpu.memory_space<vmem>> -> memref<16xf32, #tpu.memory_space<vmem>>
      %dma_start3A_356 = arith.constant 80 : i32
      %dma_start3A_357 = tpu.memref_slice %arg6[%dma_start3A_356] : memref<128xi32, #tpu.memory_space<vmem>> -> memref<16xi32, #tpu.memory_space<vmem>>
      %dma_start3A_358 = arith.constant 0 : i32
      %dma_start3A_359 = tpu.memref_slice %arg3[%dma_start3A_358] : memref<12197888xf32, #tpu.memory_space<hbm>> -> memref<12197888xf32, #tpu.memory_space<hbm>>
      tpu.enqueue_indirect_dma source(%dma_start3A_359 : memref<12197888xf32, #tpu.memory_space<hbm>>) target(%dma_start3A_355 : memref<16xf32, #tpu.memory_space<vmem>>) offsets(%dma_start3A_357 : memref<16xi32, #tpu.memory_space<vmem>>) semaphore(%arg10 : memref<!tpu.dma_semaphore, #tpu.memory_space<semaphore_mem>>)
      %sub3A_360 = arith.constant 1.000000e+00 : f32
      %sub3A_361 = vector.broadcast %sub3A_360 : f32 to vector<16xf32>
      %sub3A_362 = arith.subf %sub3A_361, %sub3A_30 : vector<16xf32>
      %mul3A_363 = arith.mulf %sub3A, %sub3A_362 : vector<16xf32>
      %mul3A_364 = arith.mulf %mul3A_363, %sub3A_37 : vector<16xf32>
      %add3A_365 = arith.constant 1 : i32
      %add3A_366 = vector.broadcast %add3A_365 : i32 to vector<16xi32>
      %add3A_367 = arith.addi %convert_element_type3A_22, %add3A_366 : vector<16xi32>
      %add3A_368 = arith.constant 1 : i32
      %add3A_369 = vector.broadcast %add3A_368 : i32 to vector<16xi32>
      %add3A_370 = arith.addi %convert_element_type3A_28, %add3A_369 : vector<16xi32>
      %add3A_371 = arith.constant 0 : i32
      %add3A_372 = vector.broadcast %add3A_371 : i32 to vector<16xi32>
      %add3A_373 = arith.addi %convert_element_type3A_35, %add3A_372 : vector<16xi32>
      %mul3A_374 = arith.muli %add3A_370, %get3A_2 : vector<16xi32>
      %add3A_375 = arith.addi %add3A_367, %mul3A_374 : vector<16xi32>
      %mul3A_376 = arith.muli %add3A_373, %get3A_4 : vector<16xi32>
      %add3A_377 = arith.addi %add3A_375, %mul3A_376 : vector<16xi32>
      %mul3A_378 = arith.constant -1640531535 : i32
      %mul3A_379 = vector.broadcast %mul3A_378 : i32 to vector<16xi32>
      %mul3A_380 = arith.muli %add3A_370, %mul3A_379 : vector<16xi32>
      %xor3A_381 = arith.xori %add3A_367, %mul3A_380 : vector<16xi32>
      %mul3A_382 = arith.constant 805459861 : i32
      %mul3A_383 = vector.broadcast %mul3A_382 : i32 to vector<16xi32>
      %mul3A_384 = arith.muli %add3A_373, %mul3A_383 : vector<16xi32>
      %xor3A_385 = arith.xori %xor3A_381, %mul3A_384 : vector<16xi32>
      %and3A_386 = arith.constant 524287 : i32
      %and3A_387 = vector.broadcast %and3A_386 : i32 to vector<16xi32>
      %and3A_388 = arith.andi %xor3A_385, %and3A_387 : vector<16xi32>
      %select_n3A_389 = arith.select %ge3A_19, %and3A_388, %add3A_377 : vector<16xi1>, vector<16xi32>
      %add3A_390 = arith.addi %select_n3A_389, %get3A_6 : vector<16xi32>
      %shift_right_arithmetic3A_391 = arith.constant 7 : i32
      %shift_right_arithmetic3A_392 = vector.broadcast %shift_right_arithmetic3A_391 : i32 to vector<16xi32>
      %shift_right_arithmetic3A_393 = arith.shrsi %add3A_390, %shift_right_arithmetic3A_392 : vector<16xi32>
      %mul3A_394 = arith.constant 256 : i32
      %mul3A_395 = vector.broadcast %mul3A_394 : i32 to vector<16xi32>
      %mul3A_396 = arith.muli %shift_right_arithmetic3A_393, %mul3A_395 : vector<16xi32>
      %and3A_397 = arith.constant 127 : i32
      %and3A_398 = vector.broadcast %and3A_397 : i32 to vector<16xi32>
      %and3A_399 = arith.andi %add3A_390, %and3A_398 : vector<16xi32>
      %add3A_400 = arith.addi %mul3A_396, %and3A_399 : vector<16xi32>
      %mul3A_401 = arith.constant 128 : i32
      %mul3A_402 = arith.muli %arg0, %mul3A_401 : i32
      %add3A_403 = vector.broadcast %mul3A_402 : i32 to vector<16xi32>
      %add3A_404 = arith.addi %add3A_400, %add3A_403 : vector<16xi32>
      %swap3A_405 = arith.constant 96 : index
      %swap3A_406 = tpu.vector_load %arg6[%swap3A_405] {strides = array<i32>} : memref<128xi32, #tpu.memory_space<vmem>>, vector<16xi32>,
      tpu.vector_store %arg6[%swap3A_405], %add3A_404 {strides = array<i32>} : memref<128xi32, #tpu.memory_space<vmem>>, vector<16xi32>,
      %dma_start3A_407 = arith.constant 96 : i32
      %dma_start3A_408 = tpu.memref_slice %arg7[%dma_start3A_407] : memref<128xf32, #tpu.memory_space<vmem>> -> memref<16xf32, #tpu.memory_space<vmem>>
      %dma_start3A_409 = arith.constant 96 : i32
      %dma_start3A_410 = tpu.memref_slice %arg6[%dma_start3A_409] : memref<128xi32, #tpu.memory_space<vmem>> -> memref<16xi32, #tpu.memory_space<vmem>>
      %dma_start3A_411 = arith.constant 0 : i32
      %dma_start3A_412 = tpu.memref_slice %arg3[%dma_start3A_411] : memref<12197888xf32, #tpu.memory_space<hbm>> -> memref<12197888xf32, #tpu.memory_space<hbm>>
      tpu.enqueue_indirect_dma source(%dma_start3A_412 : memref<12197888xf32, #tpu.memory_space<hbm>>) target(%dma_start3A_408 : memref<16xf32, #tpu.memory_space<vmem>>) offsets(%dma_start3A_410 : memref<16xi32, #tpu.memory_space<vmem>>) semaphore(%arg10 : memref<!tpu.dma_semaphore, #tpu.memory_space<semaphore_mem>>)
      %sub3A_413 = arith.constant 1.000000e+00 : f32
      %sub3A_414 = vector.broadcast %sub3A_413 : f32 to vector<16xf32>
      %sub3A_415 = arith.subf %sub3A_414, %sub3A_37 : vector<16xf32>
      %mul3A_416 = arith.mulf %sub3A, %sub3A_30 : vector<16xf32>
      %mul3A_417 = arith.mulf %mul3A_416, %sub3A_415 : vector<16xf32>
      %add3A_418 = arith.constant 1 : i32
      %add3A_419 = vector.broadcast %add3A_418 : i32 to vector<16xi32>
      %add3A_420 = arith.addi %convert_element_type3A_22, %add3A_419 : vector<16xi32>
      %add3A_421 = arith.constant 1 : i32
      %add3A_422 = vector.broadcast %add3A_421 : i32 to vector<16xi32>
      %add3A_423 = arith.addi %convert_element_type3A_28, %add3A_422 : vector<16xi32>
      %add3A_424 = arith.constant 1 : i32
      %add3A_425 = vector.broadcast %add3A_424 : i32 to vector<16xi32>
      %add3A_426 = arith.addi %convert_element_type3A_35, %add3A_425 : vector<16xi32>
      %mul3A_427 = arith.muli %add3A_423, %get3A_2 : vector<16xi32>
      %add3A_428 = arith.addi %add3A_420, %mul3A_427 : vector<16xi32>
      %mul3A_429 = arith.muli %add3A_426, %get3A_4 : vector<16xi32>
      %add3A_430 = arith.addi %add3A_428, %mul3A_429 : vector<16xi32>
      %mul3A_431 = arith.constant -1640531535 : i32
      %mul3A_432 = vector.broadcast %mul3A_431 : i32 to vector<16xi32>
      %mul3A_433 = arith.muli %add3A_423, %mul3A_432 : vector<16xi32>
      %xor3A_434 = arith.xori %add3A_420, %mul3A_433 : vector<16xi32>
      %mul3A_435 = arith.constant 805459861 : i32
      %mul3A_436 = vector.broadcast %mul3A_435 : i32 to vector<16xi32>
      %mul3A_437 = arith.muli %add3A_426, %mul3A_436 : vector<16xi32>
      %xor3A_438 = arith.xori %xor3A_434, %mul3A_437 : vector<16xi32>
      %and3A_439 = arith.constant 524287 : i32
      %and3A_440 = vector.broadcast %and3A_439 : i32 to vector<16xi32>
      %and3A_441 = arith.andi %xor3A_438, %and3A_440 : vector<16xi32>
      %select_n3A_442 = arith.select %ge3A_19, %and3A_441, %add3A_430 : vector<16xi1>, vector<16xi32>
      %add3A_443 = arith.addi %select_n3A_442, %get3A_6 : vector<16xi32>
      %shift_right_arithmetic3A_444 = arith.constant 7 : i32
      %shift_right_arithmetic3A_445 = vector.broadcast %shift_right_arithmetic3A_444 : i32 to vector<16xi32>
      %shift_right_arithmetic3A_446 = arith.shrsi %add3A_443, %shift_right_arithmetic3A_445 : vector<16xi32>
      %mul3A_447 = arith.constant 256 : i32
      %mul3A_448 = vector.broadcast %mul3A_447 : i32 to vector<16xi32>
      %mul3A_449 = arith.muli %shift_right_arithmetic3A_446, %mul3A_448 : vector<16xi32>
      %and3A_450 = arith.constant 127 : i32
      %and3A_451 = vector.broadcast %and3A_450 : i32 to vector<16xi32>
      %and3A_452 = arith.andi %add3A_443, %and3A_451 : vector<16xi32>
      %add3A_453 = arith.addi %mul3A_449, %and3A_452 : vector<16xi32>
      %mul3A_454 = arith.constant 128 : i32
      %mul3A_455 = arith.muli %arg0, %mul3A_454 : i32
      %add3A_456 = vector.broadcast %mul3A_455 : i32 to vector<16xi32>
      %add3A_457 = arith.addi %add3A_453, %add3A_456 : vector<16xi32>
      %swap3A_458 = arith.constant 112 : index
      %swap3A_459 = tpu.vector_load %arg6[%swap3A_458] {strides = array<i32>} : memref<128xi32, #tpu.memory_space<vmem>>, vector<16xi32>,
      tpu.vector_store %arg6[%swap3A_458], %add3A_457 {strides = array<i32>} : memref<128xi32, #tpu.memory_space<vmem>>, vector<16xi32>,
      %dma_start3A_460 = arith.constant 112 : i32
      %dma_start3A_461 = tpu.memref_slice %arg7[%dma_start3A_460] : memref<128xf32, #tpu.memory_space<vmem>> -> memref<16xf32, #tpu.memory_space<vmem>>
      %dma_start3A_462 = arith.constant 112 : i32
      %dma_start3A_463 = tpu.memref_slice %arg6[%dma_start3A_462] : memref<128xi32, #tpu.memory_space<vmem>> -> memref<16xi32, #tpu.memory_space<vmem>>
      %dma_start3A_464 = arith.constant 0 : i32
      %dma_start3A_465 = tpu.memref_slice %arg3[%dma_start3A_464] : memref<12197888xf32, #tpu.memory_space<hbm>> -> memref<12197888xf32, #tpu.memory_space<hbm>>
      tpu.enqueue_indirect_dma source(%dma_start3A_465 : memref<12197888xf32, #tpu.memory_space<hbm>>) target(%dma_start3A_461 : memref<16xf32, #tpu.memory_space<vmem>>) offsets(%dma_start3A_463 : memref<16xi32, #tpu.memory_space<vmem>>) semaphore(%arg10 : memref<!tpu.dma_semaphore, #tpu.memory_space<semaphore_mem>>)
      %mul3A_466 = arith.mulf %sub3A, %sub3A_30 : vector<16xf32>
      %mul3A_467 = arith.mulf %mul3A_466, %sub3A_37 : vector<16xf32>
      %dma_wait3A = arith.constant 0 : i32
      %dma_wait3A_468 = tpu.memref_slice %arg7[%dma_wait3A] : memref<128xf32, #tpu.memory_space<vmem>> -> memref<16xf32, #tpu.memory_space<vmem>>
      %dma_wait3A_469 = arith.constant 0 : i32
      %dma_wait3A_470 = tpu.memref_slice %arg6[%dma_wait3A_469] : memref<128xi32, #tpu.memory_space<vmem>> -> memref<16xi32, #tpu.memory_space<vmem>>
      %dma_wait3A_471 = arith.constant 0 : i32
      %dma_wait3A_472 = tpu.memref_slice %arg3[%dma_wait3A_471] : memref<12197888xf32, #tpu.memory_space<hbm>> -> memref<12197888xf32, #tpu.memory_space<hbm>>
      tpu.wait_indirect_dma semaphore(%arg10 : memref<!tpu.dma_semaphore, #tpu.memory_space<semaphore_mem>>) src(%dma_wait3A_472 : memref<12197888xf32, #tpu.memory_space<hbm>>) dst(%dma_wait3A_468 : memref<16xf32, #tpu.memory_space<vmem>>)
      %dma_wait3A_473 = arith.constant 16 : i32
      %dma_wait3A_474 = tpu.memref_slice %arg7[%dma_wait3A_473] : memref<128xf32, #tpu.memory_space<vmem>> -> memref<16xf32, #tpu.memory_space<vmem>>
      %dma_wait3A_475 = arith.constant 16 : i32
      %dma_wait3A_476 = tpu.memref_slice %arg6[%dma_wait3A_475] : memref<128xi32, #tpu.memory_space<vmem>> -> memref<16xi32, #tpu.memory_space<vmem>>
      %dma_wait3A_477 = arith.constant 0 : i32
      %dma_wait3A_478 = tpu.memref_slice %arg3[%dma_wait3A_477] : memref<12197888xf32, #tpu.memory_space<hbm>> -> memref<12197888xf32, #tpu.memory_space<hbm>>
      tpu.wait_indirect_dma semaphore(%arg10 : memref<!tpu.dma_semaphore, #tpu.memory_space<semaphore_mem>>) src(%dma_wait3A_478 : memref<12197888xf32, #tpu.memory_space<hbm>>) dst(%dma_wait3A_474 : memref<16xf32, #tpu.memory_space<vmem>>)
      %dma_wait3A_479 = arith.constant 32 : i32
      %dma_wait3A_480 = tpu.memref_slice %arg7[%dma_wait3A_479] : memref<128xf32, #tpu.memory_space<vmem>> -> memref<16xf32, #tpu.memory_space<vmem>>
      %dma_wait3A_481 = arith.constant 32 : i32
      %dma_wait3A_482 = tpu.memref_slice %arg6[%dma_wait3A_481] : memref<128xi32, #tpu.memory_space<vmem>> -> memref<16xi32, #tpu.memory_space<vmem>>
      %dma_wait3A_483 = arith.constant 0 : i32
      %dma_wait3A_484 = tpu.memref_slice %arg3[%dma_wait3A_483] : memref<12197888xf32, #tpu.memory_space<hbm>> -> memref<12197888xf32, #tpu.memory_space<hbm>>
      tpu.wait_indirect_dma semaphore(%arg10 : memref<!tpu.dma_semaphore, #tpu.memory_space<semaphore_mem>>) src(%dma_wait3A_484 : memref<12197888xf32, #tpu.memory_space<hbm>>) dst(%dma_wait3A_480 : memref<16xf32, #tpu.memory_space<vmem>>)
      %dma_wait3A_485 = arith.constant 48 : i32
      %dma_wait3A_486 = tpu.memref_slice %arg7[%dma_wait3A_485] : memref<128xf32, #tpu.memory_space<vmem>> -> memref<16xf32, #tpu.memory_space<vmem>>
      %dma_wait3A_487 = arith.constant 48 : i32
      %dma_wait3A_488 = tpu.memref_slice %arg6[%dma_wait3A_487] : memref<128xi32, #tpu.memory_space<vmem>> -> memref<16xi32, #tpu.memory_space<vmem>>
      %dma_wait3A_489 = arith.constant 0 : i32
      %dma_wait3A_490 = tpu.memref_slice %arg3[%dma_wait3A_489] : memref<12197888xf32, #tpu.memory_space<hbm>> -> memref<12197888xf32, #tpu.memory_space<hbm>>
      tpu.wait_indirect_dma semaphore(%arg10 : memref<!tpu.dma_semaphore, #tpu.memory_space<semaphore_mem>>) src(%dma_wait3A_490 : memref<12197888xf32, #tpu.memory_space<hbm>>) dst(%dma_wait3A_486 : memref<16xf32, #tpu.memory_space<vmem>>)
      %dma_wait3A_491 = arith.constant 64 : i32
      %dma_wait3A_492 = tpu.memref_slice %arg7[%dma_wait3A_491] : memref<128xf32, #tpu.memory_space<vmem>> -> memref<16xf32, #tpu.memory_space<vmem>>
      %dma_wait3A_493 = arith.constant 64 : i32
      %dma_wait3A_494 = tpu.memref_slice %arg6[%dma_wait3A_493] : memref<128xi32, #tpu.memory_space<vmem>> -> memref<16xi32, #tpu.memory_space<vmem>>
      %dma_wait3A_495 = arith.constant 0 : i32
      %dma_wait3A_496 = tpu.memref_slice %arg3[%dma_wait3A_495] : memref<12197888xf32, #tpu.memory_space<hbm>> -> memref<12197888xf32, #tpu.memory_space<hbm>>
      tpu.wait_indirect_dma semaphore(%arg10 : memref<!tpu.dma_semaphore, #tpu.memory_space<semaphore_mem>>) src(%dma_wait3A_496 : memref<12197888xf32, #tpu.memory_space<hbm>>) dst(%dma_wait3A_492 : memref<16xf32, #tpu.memory_space<vmem>>)
      %dma_wait3A_497 = arith.constant 80 : i32
      %dma_wait3A_498 = tpu.memref_slice %arg7[%dma_wait3A_497] : memref<128xf32, #tpu.memory_space<vmem>> -> memref<16xf32, #tpu.memory_space<vmem>>
      %dma_wait3A_499 = arith.constant 80 : i32
      %dma_wait3A_500 = tpu.memref_slice %arg6[%dma_wait3A_499] : memref<128xi32, #tpu.memory_space<vmem>> -> memref<16xi32, #tpu.memory_space<vmem>>
      %dma_wait3A_501 = arith.constant 0 : i32
      %dma_wait3A_502 = tpu.memref_slice %arg3[%dma_wait3A_501] : memref<12197888xf32, #tpu.memory_space<hbm>> -> memref<12197888xf32, #tpu.memory_space<hbm>>
      tpu.wait_indirect_dma semaphore(%arg10 : memref<!tpu.dma_semaphore, #tpu.memory_space<semaphore_mem>>) src(%dma_wait3A_502 : memref<12197888xf32, #tpu.memory_space<hbm>>) dst(%dma_wait3A_498 : memref<16xf32, #tpu.memory_space<vmem>>)
      %dma_wait3A_503 = arith.constant 96 : i32
      %dma_wait3A_504 = tpu.memref_slice %arg7[%dma_wait3A_503] : memref<128xf32, #tpu.memory_space<vmem>> -> memref<16xf32, #tpu.memory_space<vmem>>
      %dma_wait3A_505 = arith.constant 96 : i32
      %dma_wait3A_506 = tpu.memref_slice %arg6[%dma_wait3A_505] : memref<128xi32, #tpu.memory_space<vmem>> -> memref<16xi32, #tpu.memory_space<vmem>>
      %dma_wait3A_507 = arith.constant 0 : i32
      %dma_wait3A_508 = tpu.memref_slice %arg3[%dma_wait3A_507] : memref<12197888xf32, #tpu.memory_space<hbm>> -> memref<12197888xf32, #tpu.memory_space<hbm>>
      tpu.wait_indirect_dma semaphore(%arg10 : memref<!tpu.dma_semaphore, #tpu.memory_space<semaphore_mem>>) src(%dma_wait3A_508 : memref<12197888xf32, #tpu.memory_space<hbm>>) dst(%dma_wait3A_504 : memref<16xf32, #tpu.memory_space<vmem>>)
      %dma_wait3A_509 = arith.constant 112 : i32
      %dma_wait3A_510 = tpu.memref_slice %arg7[%dma_wait3A_509] : memref<128xf32, #tpu.memory_space<vmem>> -> memref<16xf32, #tpu.memory_space<vmem>>
      %dma_wait3A_511 = arith.constant 112 : i32
      %dma_wait3A_512 = tpu.memref_slice %arg6[%dma_wait3A_511] : memref<128xi32, #tpu.memory_space<vmem>> -> memref<16xi32, #tpu.memory_space<vmem>>
      %dma_wait3A_513 = arith.constant 0 : i32
      %dma_wait3A_514 = tpu.memref_slice %arg3[%dma_wait3A_513] : memref<12197888xf32, #tpu.memory_space<hbm>> -> memref<12197888xf32, #tpu.memory_space<hbm>>
      tpu.wait_indirect_dma semaphore(%arg10 : memref<!tpu.dma_semaphore, #tpu.memory_space<semaphore_mem>>) src(%dma_wait3A_514 : memref<12197888xf32, #tpu.memory_space<hbm>>) dst(%dma_wait3A_510 : memref<16xf32, #tpu.memory_space<vmem>>)
      %iota3A_515 = tpu.iota {dimensions = array<i32: 0>} : vector<16xi32>
      %broadcast_in_dim3A = arith.constant 0.000000e+00 : f32
      %broadcast_in_dim3A_516 = vector.broadcast %broadcast_in_dim3A : f32 to vector<16xf32>
      %get3A_517 = arith.constant 0 : index
      %get3A_518 = tpu.vector_load %arg7[%get3A_517] {strides = array<i32>} : memref<128xf32, #tpu.memory_space<vmem>>, vector<16xf32>,
      %mul3A_519 = arith.mulf %mul3A_90, %get3A_518 : vector<16xf32>
      %add3A_520 = arith.addf %broadcast_in_dim3A_516, %mul3A_519 : vector<16xf32>
      %get3A_521 = arith.constant 16 : index
      %get3A_522 = tpu.vector_load %arg7[%get3A_521] {strides = array<i32>} : memref<128xf32, #tpu.memory_space<vmem>>, vector<16xf32>,
      %mul3A_523 = arith.mulf %mul3A_146, %get3A_522 : vector<16xf32>
      %add3A_524 = arith.addf %add3A_520, %mul3A_523 : vector<16xf32>
      %get3A_525 = arith.constant 32 : index
      %get3A_526 = tpu.vector_load %arg7[%get3A_525] {strides = array<i32>} : memref<128xf32, #tpu.memory_space<vmem>>, vector<16xf32>,
      %mul3A_527 = arith.mulf %mul3A_202, %get3A_526 : vector<16xf32>
      %add3A_528 = arith.addf %add3A_524, %mul3A_527 : vector<16xf32>
      %get3A_529 = arith.constant 48 : index
      %get3A_530 = tpu.vector_load %arg7[%get3A_529] {strides = array<i32>} : memref<128xf32, #tpu.memory_space<vmem>>, vector<16xf32>,
      %mul3A_531 = arith.mulf %mul3A_255, %get3A_530 : vector<16xf32>
      %add3A_532 = arith.addf %add3A_528, %mul3A_531 : vector<16xf32>
      %get3A_533 = arith.constant 64 : index
      %get3A_534 = tpu.vector_load %arg7[%get3A_533] {strides = array<i32>} : memref<128xf32, #tpu.memory_space<vmem>>, vector<16xf32>,
      %mul3A_535 = arith.mulf %mul3A_311, %get3A_534 : vector<16xf32>
      %add3A_536 = arith.addf %add3A_532, %mul3A_535 : vector<16xf32>
      %get3A_537 = arith.constant 80 : index
      %get3A_538 = tpu.vector_load %arg7[%get3A_537] {strides = array<i32>} : memref<128xf32, #tpu.memory_space<vmem>>, vector<16xf32>,
      %mul3A_539 = arith.mulf %mul3A_364, %get3A_538 : vector<16xf32>
      %add3A_540 = arith.addf %add3A_536, %mul3A_539 : vector<16xf32>
      %get3A_541 = arith.constant 96 : index
      %get3A_542 = tpu.vector_load %arg7[%get3A_541] {strides = array<i32>} : memref<128xf32, #tpu.memory_space<vmem>>, vector<16xf32>,
      %mul3A_543 = arith.mulf %mul3A_417, %get3A_542 : vector<16xf32>
      %add3A_544 = arith.addf %add3A_540, %mul3A_543 : vector<16xf32>
      %get3A_545 = arith.constant 112 : index
      %get3A_546 = tpu.vector_load %arg7[%get3A_545] {strides = array<i32>} : memref<128xf32, #tpu.memory_space<vmem>>, vector<16xf32>,
      %mul3A_547 = arith.mulf %mul3A_467, %get3A_546 : vector<16xf32>
      %add3A_548 = arith.addf %add3A_544, %mul3A_547 : vector<16xf32>
      %swap3A_549 = arith.constant 0 : index
      %swap3A_550 = tpu.vector_load %arg8[%swap3A_549] {strides = array<i32>} : memref<16xf32, #tpu.memory_space<vmem>>, vector<16xf32>,
      tpu.vector_store %arg8[%swap3A_549], %add3A_548 {strides = array<i32>} : memref<16xf32, #tpu.memory_space<vmem>>, vector<16xf32>,
      %mul3A_551 = arith.constant 2 : i32
      %mul3A_552 = vector.broadcast %mul3A_551 : i32 to vector<16xi32>
      %mul3A_553 = arith.muli %iota3A_515, %mul3A_552 : vector<16xi32>
      %add3A_554 = vector.broadcast %arg0 : i32 to vector<16xi32>
      %add3A_555 = arith.addi %mul3A_553, %add3A_554 : vector<16xi32>
      %swap3A_556 = arith.constant 0 : index
      %swap3A_557 = tpu.vector_load %arg9[%swap3A_556] {strides = array<i32>} : memref<16xi32, #tpu.memory_space<vmem>>, vector<16xi32>,
      tpu.vector_store %arg9[%swap3A_556], %add3A_555 {strides = array<i32>} : memref<16xi32, #tpu.memory_space<vmem>>, vector<16xi32>,
      %dma_start3A_558 = arith.constant 0 : i32
      %dma_start3A_559 = tpu.memref_slice %arg4[%dma_start3A_558] : memref<32xf32, #tpu.memory_space<hbm>> -> memref<32xf32, #tpu.memory_space<hbm>>
      tpu.enqueue_indirect_dma source(%arg8 : memref<16xf32, #tpu.memory_space<vmem>>) target(%dma_start3A_559 : memref<32xf32, #tpu.memory_space<hbm>>) offsets(%arg9 : memref<16xi32, #tpu.memory_space<vmem>>) semaphore(%arg10 : memref<!tpu.dma_semaphore, #tpu.memory_space<semaphore_mem>>)
      %dma_wait3A_560 = arith.constant 0 : i32
      %dma_wait3A_561 = tpu.memref_slice %arg4[%dma_wait3A_560] : memref<32xf32, #tpu.memory_space<hbm>> -> memref<32xf32, #tpu.memory_space<hbm>>
      tpu.wait_indirect_dma semaphore(%arg10 : memref<!tpu.dma_semaphore, #tpu.memory_space<semaphore_mem>>) src(%arg8 : memref<16xf32, #tpu.memory_space<vmem>>) dst(%dma_wait3A_561 : memref<32xf32, #tpu.memory_space<hbm>>)
    } else {
    }
    return
  }
}

</mosaic_0001>

<sc_bundles>
// kernel: kernel.3.cloned.1.call-start
scs
__scs_entry_jumppad:
0x0: {  	(pc) =	sbr.rel $0x88, $3  }
0x1: {  	(tag) =	ssettag $0x0;
	lr =	simm.s32 $0x1  }
0x2: {  	[smem:$0x3F9F] =	sst lr;
	_ =	strace $0xD0000000  }
0x3: {  	_ = 	snop  }
0x4: {  	_ = 	snop  }
0x5: {  	_ = 	snop  }
0x6: {  	_ = 	snop  }
0x7: {  	_ = 	snop  }
__scs_overlays_trampoline_lowered:
0x8: {  	[smem:$0x3FAE] =	sst s0  }
0x9: {  	[smem:$0x3FAF] =	sst s1  }
0xa: {  	[smem:$0x3FB0] =	sst s2  }
0xb: {  	[smem:$0x3FB1] =	sst s3  }
0xc: {  	[smem:$0x3FB2] =	sst s4  }
0xd: {  	[smem:$0x3FB3] =	sst s5  }
0xe: {  	[smem:$0x3FB4] =	sst s6  }
0xf: {  	[smem:$0x3FB5] =	sst s7  }
0x10: {  	[smem:$0x3FB6] =	sst s8  }
0x11: {  	[smem:$0x3FB7] =	sst s9;
	s0 =	simm.s32 @!p0 $0x0  }
0x12: {  	s1 =	sld [smem:$0x3F9D];
	s0 =	simm.s32 @p0 $0x1  }
0x13: {  	[smem:$0x3FB8] =	sst s0;
	s0 =	simm.s32 @!p1 $0x0  }
0x14: {  	s2 =	sld [smem:$0x3F9C];
	s0 =	simm.s32 @p1 $0x1  }
0x15: {  	[smem:$0x3FB9] =	sst s0;
	s0 =	simm.s32 @!p2 $0x0  }
0x16: {  	s3 =	sld [smem:$0x3FDB];
	s0 =	simm.s32 @p2 $0x1  }
0x17: {  	s4 =	simm.s32 $0x1BF5;
	[smem:$0x3FBB] =	sst s0  }
0x18: {  	s0 =	sld [smem:$0x3F9E];
	_ =	swait.ge [sflag:s4], $0x0  }
0x19: {  	s7 =	sld [smem:$0x3F9F]  }
0x1a: {  	s8 =	sadd.s32 $0xFFFFE003, lr  }
0x1b: {  	s9 =	sadd.s32 $0xFFFFFEF7, lr;
	s5 =	simm.s32 $0xFFFFFFFF;
	p2 =	slt.u32 s8, $0xFFFFF086  }
0x1c: {  	p1 =	slt.u32 s9, $0xF7A;
	s5 =	simm.s32 @!p2 $0x0  }
0x1d: {  	s5 =	simm.s32 @p1 $0x1;
	p0 =	seq.s32 s7, s2  }
0x1e: {  	s7 =	smul.u32 @!p0 $0xF7A, s2;
	p2 =	seq.s32 @!p0 s5, $0x0  }
0x1f: {  	s9 =	smul.u32 $0xF7A, s1;
	s8 =	simm.s32 @!p0 $0x1BF5;
	p2 =	por !p2, p0  }
0x20: {  	[sflag:s8] =	ssyncset.s32 @!p0 $0xFFFFF086;
	s6 =	sadd.s32 @!p0 s3, s7;
	s7 =	simm.s32 @!p0 $0x108  }
0x21: {  	s3 =	sadd.s32 s3, s9;
	s6 =	sadd.s32 @!p0 $0x88, s6;
	s7 =	simm.s32 @p2 $0x1082  }
0x22: {  	[simem:s7], [sflag:s8] =	dma.local @!p0 [hbm:s6], $0xF7A  }
0x23: {  	s9 =	sor.u32 $0xD0000000, s2;
	s6 =	simm.s32 $0x108;
	_ =	swait.ge @!p0 [sflag:s8], $0x0  }
0x24: {  	s3 =	sadd.s32 $0x88, s3;
	s6 =	simm.s32 @!p1 $0x1082;
	[sflag:s4] =	ssyncset.s32 $0xFFFFF086  }
0x25: {  	[simem:s6], [sflag:s4] =	dma.local [hbm:s3], $0xF7A  }
0x26: {  	[smem:$0x3F9F] =	sst s1;
	(tag) =	ssettag s2;
	_ =	strace s9  }
0x27: {  	s1 =	sld [smem:$0x3FAF]  }
0x28: {  	s2 =	sld [smem:$0x3FB0]  }
0x29: {  	s4 =	sld [smem:$0x3FB2]  }
0x2a: {  	p0 =	seq.s32 s5, $0x0;
	s5 =	sld [smem:$0x3FB3]  }
0x2b: {  	s6 =	sld [smem:$0x3FB4]  }
0x2c: {  	s7 =	sld [smem:$0x3FB5]  }
0x2d: {  	s3 =	simm.s32 $0x108;
	s8 =	sld [smem:$0x3FB6]  }
0x2e: {  	s3 =	simm.s32 @!p0 $0x1082;
	s9 =	sld [smem:$0x3FB7]  }
0x2f: {  	lr =	sadd.s32 s0, s3;
	s0 =	sld [smem:$0x3FAE]  }
0x30: {  	s3 =	sld [smem:$0x3FB1]  }
0x31: {  	[smem:$0x3FBA] =	sst s10  }
0x32: {  	s10 =	sld [smem:$0x3FB8];
	_ =	sdelay $0x3  }
0x33: {  	p0 =	seq.s32 s10, $0x1;
	s10 =	sld [smem:$0x3FBA];
	_ =	sdelay $0x3  }
0x34: {  	[smem:$0x3FBA] =	sst s10  }
0x35: {  	s10 =	sld [smem:$0x3FB9];
	_ =	sdelay $0x3  }
0x36: {  	p1 =	seq.s32 s10, $0x1;
	s10 =	sld [smem:$0x3FBA];
	_ =	sdelay $0x3  }
0x37: {  	[smem:$0x3FBA] =	sst s10  }
0x38: {  	s10 =	sld [smem:$0x3FBB]  }
0x39: {  	_ = 	snop;
	(pc) =	sbr.ind lr, $3  }
0x3a: {  	_ = 	snop  }
0x3b: {  	_ = 	snop  }
0x3c: {  	p2 =	seq.s32 s10, $0x1;
	s10 =	sld [smem:$0x3FBA]  }
0x3d: {  	_ =	shalt  }
0x3e: {  	_ =	shalt  }
0x3f: {  	_ =	shalt  }
0x40: {  	_ =	shalt  }
0x41: {  	_ =	shalt  }
0x42: {  	_ =	shalt  }
0x43: {  	_ =	shalt  }
0x44: {  	_ =	shalt  }
0x45: {  	_ =	shalt  }
0x46: {  	_ =	shalt  }
0x47: {  	_ =	shalt  }
0x48: {  	_ =	shalt  }
0x49: {  	_ =	shalt  }
0x4a: {  	_ =	shalt  }
0x4b: {  	_ =	shalt  }
0x4c: {  	_ =	shalt  }
0x4d: {  	_ =	shalt  }
0x4e: {  	_ =	shalt  }
0x4f: {  	_ =	shalt  }
0x50: {  	_ =	shalt  }
0x51: {  	_ =	shalt  }
0x52: {  	_ =	shalt  }
0x53: {  	_ =	shalt  }
0x54: {  	_ =	shalt  }
0x55: {  	_ =	shalt  }
0x56: {  	_ =	shalt  }
0x57: {  	_ =	shalt  }
0x58: {  	_ =	shalt  }
0x59: {  	_ =	shalt  }
0x5a: {  	_ =	shalt  }
0x5b: {  	_ =	shalt  }
0x5c: {  	_ =	shalt  }
0x5d: {  	_ =	shalt  }
0x5e: {  	_ =	shalt  }
0x5f: {  	_ =	shalt  }
0x60: {  	_ =	shalt  }
0x61: {  	_ =	shalt  }
0x62: {  	_ =	shalt  }
0x63: {  	_ =	shalt  }
0x64: {  	_ =	shalt  }
0x65: {  	_ =	shalt  }
0x66: {  	_ =	shalt  }
0x67: {  	_ =	shalt  }
0x68: {  	_ =	shalt  }
0x69: {  	_ =	shalt  }
0x6a: {  	_ =	shalt  }
0x6b: {  	_ =	shalt  }
0x6c: {  	_ =	shalt  }
0x6d: {  	_ =	shalt  }
0x6e: {  	_ =	shalt  }
0x6f: {  	_ =	shalt  }
0x70: {  	_ =	shalt  }
0x71: {  	_ =	shalt  }
0x72: {  	_ =	shalt  }
0x73: {  	_ =	shalt  }
0x74: {  	_ =	shalt  }
0x75: {  	_ =	shalt  }
0x76: {  	_ =	shalt  }
0x77: {  	_ =	shalt  }
0x78: {  	_ =	shalt  }
0x79: {  	_ =	shalt  }
0x7a: {  	_ =	shalt  }
0x7b: {  	_ =	shalt  }
0x7c: {  	_ =	shalt  }
0x7d: {  	_ =	shalt  }
0x7e: {  	_ =	shalt  }
0x7f: {  	_ =	shalt  }
0x80: {  	_ =	shalt  }
0x81: {  	_ =	shalt  }
0x82: {  	_ =	shalt  }
0x83: {  	_ =	shalt  }
0x84: {  	_ =	shalt  }
0x85: {  	_ =	shalt  }
0x86: {  	_ =	shalt  }
0x87: {  	_ =	shalt  }
.Lfunc_end0:
.L_simem_size_0:
called_computation_lowered:
.L_overlay_start_0:
0x88: {  	s2 =	sld [smem:$0x3FD9]  }
0x89: {  	s3 =	sld [smem:$0x3FFE];
	_ =	sdelay $0x1  }
0x8a: {  	s1 =	srdreg.scid  }
0x8b: {  	s0 =	sand.u32 $0x1, s1  }
0x8c: {  	s17 =	sshll.u32 s0, $0xA;
	s2 =	sadd.s32 s3, s2  }
0x8d: {  	s2 =	sadd.s32 s2, s17  }
0x8e: {  	[smem:$0x3FC6] =	sst s2  }
0x8f: {  	_ = 	snop  }
0x90: {  	s2 =	sld [smem:$0x3FD0];
	(tm) =	ssettm $0x1  }
0x91: {  	s18 =	sld [smem:$0x3FFB];
	_ =	sdelay $0x3  }
0x92: {  	_ =	strace s18  }
0x93: {  	s3 =	sld [smem:$0x3FFC];
	_ =	sdelay $0x3  }
0x94: {  	_ =	strace s3  }
0x95: {  	s3 =	sld [smem:$0x3FFD];
	_ =	sdelay $0x3  }
0x96: {  	_ =	strace s3  }
0x97: {  	_ =	strace $0x8FFFFFFF  }
0x98: {  	s19 =	sld [smem:$0x3FDB];
	_ =	sdelay $0x1  }
0x99: {  	s4 =	simm.s32 $_scs_section_size  }
0x9a: {  	s5 =	simm.s32 $_size__tile_overlayer_lowered;
	s6 =	simm.s32 $_tile_overlayer_lowered  }
0x9b: {  	s22 =	simm.s32 $0x1BFF;
	s21 =	sshll.u32 s6, $0x1;
	s3 =	sadd.s32 s4, s19  }
0x9c: {  	s7 =	simm.s32 $0x0;
	s20 =	sshll.u32 s5, $0x1;
	s5 =	sadd.s32 s21, s3  }
0x9d: {  	[timem:s7], [sflag:s22] =	dma.local [hbm:s5], s20  }
0x9e: {  	_ =	swait.ge [sflag:s22], s20  }
0x9f: {  	s4 =	ssub.s32 $0x0, s20;
	[sflag:s22] =	ssyncset.done $0x0  }
0xa0: {  	[sflag:s22] =	ssyncadd.s32 s4;
	_ =	sdelay $0x1  }
0xa1: {  	s23 =	simm.s32 $0x1B8B  }
0xa2: {  	_ =	swait.ge [sflag:s23], $0x1  }
0xa3: {  	[sflag:s23] =	ssyncset.done $0x0  }
0xa4: {  	s25 =	simm.s32 $0x1B8E;
	s24 =	sld [smem:$0x3FFE];
	[sflag:s23] =	ssyncadd.s32 $0xFFFFFFFF  }
0xa5: {  	s26 =	simm.s32 $execute0_lowered;
	[smem:$0x3FD2] =	sst s25  }
0xa6: {  	s5 =	sshll.u32 s26, $0x1;
	_ =	strace $0x80000046;
	[dreg:$0x1] =	wrdreg $0xFFFFFFFF  }
0xa7: {  	s28 =	simm.s32 $_size_execute0_lowered;
	s3 =	sadd.s32 s3, s5;
	[dreg:$0x0] =	wrdreg $0x0  }
0xa8: {  	s5 =	sshll.u32 s28, $0x1;
	[dreg:$0x2] =	wrdreg s3  }
0xa9: {  	[dreg:$0x3] =	wrdreg s5  }
0xaa: {  	[dreg:$0x4] =	wrdreg $0xC0  }
0xab: {  	_ =	task [dreg:s7], $0x5FFFF  }
0xac: {  	[dreg:$0x1] =	wrdreg $0xFFFFFFFF  }
0xad: {  	[dreg:$0x0] =	wrdreg $0x60  }
0xae: {  	[dreg:$0x2] =	wrdreg s24  }
0xaf: {  	[dreg:$0x3] =	wrdreg s2  }
0xb0: {  	[dreg:$0x4] =	wrdreg $0x9  }
0xb1: {  	_ =	task.clear_ibuf [dreg:s7], $0x5FFFF;
	_ =	strace $0x90000046  }
0xb2: {  	s29 =	simm.s32 $0x9;
	_ =	strace $0x80000048  }
0xb3: {  	_ =	swait.ge [sflag:s29], $0x1  }
0xb4: {  	[sflag:s29] =	ssyncadd.s32 $0xFFFFFFFF  }
0xb5: {  	_ =	strace $0x90000048  }
0xb6: {  	_ =	sfence  }
0xb7: {  	s30 =	sld [smem:$0x0];
	_ =	sdelay $0x2  }
0xb8: {  	s31 =	sshll.u32 s1, $0xD;
	s1 =	sshrl.u32 s1, $0x2  }
0xb9: {  	s3 =	sand.u32 $0x4000, s31;
	s1 =	sadd.s32 s1, s30  }
0xba: {  	s0 =	sor.u32 s3, s0;
	s1 =	sshll.u32 s1, $0x11  }
0xbb: {  	s0 =	sor.u32 s1, s0  }
0xbc: {  	s0 =	sadd.s32 $0x8F2B, s0  }
0xbd: {  	[sflag:s0] =	ssyncadd.remote.s32 $0x1  }
0xbe: {  	_ =	sfence.sel $0xFFFF  }
0xbf: {  	[dreg:$0x0] =	wrdreg $0xFFFFFFFF;
	(pc) =	sbr.abs _section_cstart, $3  }
0xc0: {  	[dreg:$0x1] =	wrdreg $0xFFFFFFFF  }
0xc1: {  	_ =	task.clear_ibuf [dreg:s7], $0x2FFFF;
	_ =	strace $0x9FFFFFFF  }
0xc2: {  	(tm) =	ssettm $0x7FFFFFFF  }
0xc3: {  	_ =	shalt  }
tec
execute0_lowered:
.L_overlay_start_1:
0x0: {  	(tag) =	ssettag $0x1  }
0x1: {  	s2 =	stileid.u32  }
0x2: {  	p0 =	sne.s32 s2, $0x0  }
.Ltmp0:
0x3: {  	_ = 	snop;
	(pc) =	sbr.rel @p0 .LBB2_4-.Ltmp0, $4  }
0x4: {  	_ = 	snop  }
0x5: {  	s5 =	rddreg [dreg:$0x0]  }
0x6: {  	s1 =	rddreg [dreg:$0x1]  }
0x7: {  	s0 =	rddreg [dreg:$0x2];
	_ =	strace $0x80000047  }
0x8: {  	s2 =	sadd.s32 $0x174C00, s5;
	s3 =	simm.s32 $0x0;
	s4 =	simm.s32 $0x2  }
0x9: {  	[tilespmem:s3], [sflag:$0x2] =	stream.linear.gather [hbm4b:s2+s3], $0x80, $0x38;
	[tilespmem:$0x280] =	vst v63  }
0xa: {  	_ =	swait.ge [sflag:s4], $0x80  }
0xb: {  	[sflag:s4] =	ssyncset.done $0x0  }
0xc: {  	[sflag:s4] =	ssyncadd.s32 $0xFFFFFF80  }
0xd: {  	v0 =	vld [tilespmem:$0x40]  }
0xe: {  	v1 =	vld [tilespmem:$0x60]  }
0xf: {  	v2 =	vld [tilespmem:$0x50]  }
0x10: {  	v3 =	vld [tilespmem:$0x30];
	_ =	sdelay $0x2  }
0x11: {  	v0 =	vmul.f32 v1, v0  }
0x12: {  	v4 =	vmul.f32 v1, v2  }
0x13: {  	v3 =	vmul.f32 v1, v3;
	v2 =	vadd.f32 $5.000000000e-01, v0  }
0x14: {  	s6 =	srdreg.scid;
	v7 =	vld [tilespmem:$0x0];
	v1 =	vadd.f32 $5.000000000e-01, v4  }
0x15: {  	s24 =	sand.u32 $0x1, s6;
	v8 =	vld [tilespmem:$0x10];
	v3 =	vadd.f32 $5.000000000e-01, v3;
	v4 =	vtrunc.f32 v2  }
0x16: {  	vm0 =	vmmov $0x1f;
	s6 =	sshll.u32 s24, $0x7;
	v5 =	vcvt.f32.s32 v4;
	v4 =	vtrunc.f32 v1  }
0x17: {  	v0 =	vmov s6;
	v6 =	vtrunc.f32 v3;
	v4 =	vcvt.f32.s32 v4  }
0x18: {  	v6 =	vcvt.f32.s32 v6;
	v9 =	vmul.u32 $0x9E3779B1, v5;
	v10 =	vadd.s32 $0x1, v5  }
0x19: {  	v11 =	vmul.u32 v5, v7;
	v13 =	vmul.u32 $0x30025795, v4;
	v7 =	vmul.u32 v7, v10  }
0x1a: {  	v10 =	vadd.s32 $0x1, v6;
	v14 =	vmul.u32 v4, v8;
	v19 =	vadd.s32 $0x1, v4  }
0x1b: {  	v15 =	vxor.u32 v6, v9;
	v16 =	vxor.u32 v9, v10;
	v17 =	vadd.s32 v6, v11  }
0x1c: {  	v8 =	vmul.u32 v8, v19;
	v9 =	vadd.s32 $0x9E3779B1, v9;
	v11 =	vadd.s32 v11, v10  }
0x1d: {  	v18 =	vxor.u32 v13, v15;
	v20 =	vadd.s32 v14, v17;
	v21 =	vadd.s32 v10, v7  }
0x1e: {  	v55 =	vadd.s32 $0x30025795, v13;
	v7 =	vadd.s32 v6, v7;
	v57 =	vxor.u32 v6, v9  }
0x1f: {  	v9 =	vxor.u32 v10, v9;
	v18 =	vand.u32 $0x7FFFF, v18;
	v15 =	vxor.u32 v55, v15  }
0x20: {  	v12 =	vld [tilespmem:$0x20];
	v22 =	vadd.s32 v8, v21;
	v23 =	vadd.s32 v14, v7;
	v21 =	vadd.s32 v14, v21  }
0x21: {  	v24 =	vxor.u32 v13, v57;
	v25 =	vxor.u32 v55, v16;
	v7 =	vadd.s32 v8, v7  }
0x22: {  	v16 =	vxor.u32 v13, v16;
	v17 =	vadd.s32 v8, v17;
	v14 =	vadd.s32 v14, v11  }
0x23: {  	v8 =	vadd.s32 v8, v11;
	v18 =	vsel vm0, v20, v18;
	v25 =	vand.u32 $0x7FFFF, v25  }
0x24: {  	v24 =	vand.u32 $0x7FFFF, v24;
	v16 =	vand.u32 $0x7FFFF, v16;
	v15 =	vand.u32 $0x7FFFF, v15  }
0x25: {  	v18 =	vadd.s32 v12, v18;
	v23 =	vsel vm0, v23, v24;
	v15 =	vsel vm0, v17, v15  }
0x26: {  	v14 =	vsel vm0, v14, v16;
	v8 =	vsel vm0, v8, v25;
	v56 =	vshll.u32 v18, $0x1  }
0x27: {  	v18 =	vand.u32 $0x7F, v18;
	v23 =	vadd.s32 v12, v23;
	v15 =	vadd.s32 v12, v15  }
0x28: {  	v14 =	vadd.s32 v12, v14;
	v8 =	vadd.s32 v12, v8;
	v20 =	vand.u32 $0xFFFFFF00, v56  }
0x29: {  	v58 =	vshll.u32 v23, $0x1;
	v11 =	vshll.u32 v15, $0x1;
	v61 =	vand.u32 $0x7F, v23  }
0x2a: {  	v62 =	vshll.u32 v14, $0x1;
	v18 =	vor.u32 v20, v18;
	v20 =	vxor.u32 v55, v57  }
0x2b: {  	v15 =	vand.u32 $0x7F, v15;
	v11 =	vand.u32 $0xFFFFFF00, v11;
	v20 =	vand.u32 $0x7FFFF, v20  }
0x2c: {  	s7 =	simm.s32 $0x80;
	v63 =	vand.u32 $0xFFFFFF00, v62;
	v18 =	vor.u32 v0, v18;
	v7 =	vsel vm0, v7, v20  }
0x2d: {  	s8 =	simm.s32 $0x100;
	s6 =	sadd.s32 $0x800, s5;
	s5 =	simm.s32 $0x10;
	v11 =	vor.u32 v11, v15;
	v20 =	vand.u32 $0xFFFFFF00, v58;
	[tilespmem:$0x80] =	vst v18;
	v7 =	vadd.s32 v12, v7  }
0x2e: {  	v11 =	vor.u32 v0, v11;
	v15 =	vor.u32 v20, v61;
	[tilespmem:s8], [sflag:$0x1] =	stream.indirect.gather [hbm4b:s6+s5], $0x1, s7, s5, $0xb8;
	v59 =	vshll.u32 v7, $0x1;
	[tilespmem:$0x280] =	vst v63  }
0x2f: {  	s9 =	simm.s32 $0x90;
	s10 =	simm.s32 $0x110;
	v10 =	vor.u32 v0, v15;
	[tilespmem:$0x90] =	vst v11;
	v7 =	vand.u32 $0x7F, v7;
	v11 =	vxor.u32 v13, v9  }
0x30: {  	v9 =	vxor.u32 v55, v9;
	v13 =	vand.u32 $0x7F, v14;
	v60 =	vand.u32 $0xFFFFFF00, v59;
	[tilespmem:s10], [sflag:$0x1] =	stream.indirect.gather [hbm4b:s6+s5], $0x1, s9, s5, $0xb8;
	[tilespmem:$0x280] =	vst v63  }
0x31: {  	s11 =	simm.s32 $0xA0;
	s12 =	simm.s32 $0x120;
	v11 =	vand.u32 $0x7FFFF, v11;
	v9 =	vand.u32 $0x7FFFF, v9;
	v7 =	vor.u32 v60, v7;
	[tilespmem:$0xA0] =	vst v10  }
0x32: {  	v10 =	vshll.u32 v8, $0x1;
	v8 =	vand.u32 $0x7F, v8;
	[tilespmem:s12], [sflag:$0x1] =	stream.indirect.gather [hbm4b:s6+s5], $0x1, s11, s5, $0xb8;
	v7 =	vor.u32 v0, v7;
	[tilespmem:$0x280] =	vst v63  }
0x33: {  	s13 =	simm.s32 $0xB0;
	s14 =	simm.s32 $0x130;
	v11 =	vsel vm0, v21, v11;
	v9 =	vsel vm0, v22, v9;
	[tilespmem:$0xB0] =	vst v7;
	v7 =	vor.u32 v63, v13  }
0x34: {  	v10 =	vand.u32 $0xFFFFFF00, v10;
	v11 =	vadd.s32 v12, v11;
	[tilespmem:s14], [sflag:$0x1] =	stream.indirect.gather [hbm4b:s6+s5], $0x1, s13, s5, $0xb8;
	v7 =	vor.u32 v0, v7;
	[tilespmem:$0x280] =	vst v63  }
0x35: {  	s15 =	simm.s32 $0xC0;
	s16 =	simm.s32 $0x140;
	v9 =	vadd.s32 v12, v9;
	v13 =	vshll.u32 v11, $0x1;
	[tilespmem:$0xC0] =	vst v7;
	v7 =	vor.u32 v10, v8  }
0x36: {  	v13 =	vand.u32 $0xFFFFFF00, v13;
	v8 =	vand.u32 $0x7F, v11;
	[tilespmem:s16], [sflag:$0x1] =	stream.indirect.gather [hbm4b:s6+s5], $0x1, s15, s5, $0xb8;
	v7 =	vor.u32 v0, v7;
	[tilespmem:$0x280] =	vst v63  }
0x37: {  	s18 =	simm.s32 $0xD0;
	s19 =	simm.s32 $0x150;
	v10 =	vshll.u32 v9, $0x1;
	v8 =	vor.u32 v13, v8;
	[tilespmem:$0xD0] =	vst v7  }
0x38: {  	v9 =	vand.u32 $0x7F, v9;
	v7 =	vor.u32 v0, v8;
	v8 =	vand.u32 $0xFFFFFF00, v10;
	[tilespmem:s19], [sflag:$0x1] =	stream.indirect.gather [hbm4b:s6+s5], $0x1, s18, s5, $0xb8;
	[tilespmem:$0x280] =	vst v63  }
0x39: {  	s20 =	simm.s32 $0xE0;
	s21 =	simm.s32 $0x160;
	v8 =	vor.u32 v8, v9;
	[tilespmem:$0xE0] =	vst v7  }
0x3a: {  	v7 =	vor.u32 v0, v8;
	[tilespmem:s21], [sflag:$0x1] =	stream.indirect.gather [hbm4b:s6+s5], $0x1, s20, s5, $0xb8;
	[tilespmem:$0x280] =	vst v63  }
0x3b: {  	s22 =	simm.s32 $0xF0;
	s23 =	simm.s32 $0x170;
	s17 =	simm.s32 $0x1;
	[tilespmem:$0xF0] =	vst v7  }
0x3c: {  	[tilespmem:s23], [sflag:$0x1] =	stream.indirect.gather [hbm4b:s6+s5], $0x1, s22, s5, $0xb8;
	[tilespmem:$0x280] =	vst v63  }
0x3d: {  	_ =	swait.ge [sflag:s17], $0x10  }
0x3e: {  	[sflag:s17] =	ssyncset.done $0x0  }
0x3f: {  	[sflag:s17] =	ssyncadd.s32 $0xFFFFFFF0  }
0x40: {  	_ =	swait.ge [sflag:s17], $0x10  }
0x41: {  	[sflag:s17] =	ssyncset.done $0x0  }
0x42: {  	[sflag:s17] =	ssyncadd.s32 $0xFFFFFFF0  }
0x43: {  	_ =	swait.ge [sflag:s17], $0x10  }
0x44: {  	[sflag:s17] =	ssyncset.done $0x0  }
0x45: {  	[sflag:s17] =	ssyncadd.s32 $0xFFFFFFF0  }
0x46: {  	_ =	swait.ge [sflag:s17], $0x10  }
0x47: {  	[sflag:s17] =	ssyncset.done $0x0  }
0x48: {  	[sflag:s17] =	ssyncadd.s32 $0xFFFFFFF0  }
0x49: {  	_ =	swait.ge [sflag:s17], $0x10  }
0x4a: {  	[sflag:s17] =	ssyncset.done $0x0  }
0x4b: {  	[sflag:s17] =	ssyncadd.s32 $0xFFFFFFF0  }
0x4c: {  	_ =	swait.ge [sflag:s17], $0x10  }
0x4d: {  	[sflag:s17] =	ssyncset.done $0x0  }
0x4e: {  	[sflag:s17] =	ssyncadd.s32 $0xFFFFFFF0  }
0x4f: {  	v6 =	vcvt.s32.f32 v6;
	_ =	swait.ge [sflag:s17], $0x10  }
0x50: {  	v5 =	vcvt.s32.f32 v5;
	[sflag:s17] =	ssyncset.done $0x0  }
0x51: {  	v3 =	vsub.f32 v3, v6;
	[sflag:s17] =	ssyncadd.s32 $0xFFFFFFF0  }
0x52: {  	v7 =	vsub.f32 v2, v5;
	v2 =	vcvt.s32.f32 v4;
	_ =	swait.ge [sflag:s17], $0x10  }
0x53: {  	v4 =	vsub.f32 $1.000000000e+00, v3;
	[sflag:s17] =	ssyncset.done $0x0  }
0x54: {  	v6 =	vsub.f32 $1.000000000e+00, v7;
	v2 =	vsub.f32 v1, v2;
	[sflag:s17] =	ssyncadd.s32 $0xFFFFFFF0  }
0x55: {  	v1 =	vld [tilespmem:$0x100]  }
0x56: {  	v8 =	vmul.f32 v6, v4;
	v5 =	vsub.f32 $1.000000000e+00, v2  }
0x57: {  	s25 =	ssub.s32 $0x2, s24;
	v9 =	vld [tilespmem:$0x110]  }
0x58: {  	s26 =	sshrl.u32 s25, $0x1;
	v10 =	vmul.f32 v8, v5  }
0x59: {  	s25 =	ssub.s32 s25, s26;
	v11 =	vmul.f32 v4, v7;
	v12 =	vld [tilespmem:$0x120]  }
0x5a: {  	s26 =	smax.u32 s25, $0x1;
	v4 =	vmul.f32 v8, v2;
	v1 =	vmul.f32 v1, v10  }
0x5b: {  	p1 =	sne.s32 s26, $0x1;
	v8 =	vlaneseq.u32;
	v13 =	vld [tilespmem:$0x130]  }
.Ltmp1:
0x5c: {  	v10 =	vmul.f32 v11, v5;
	v9 =	vmul.f32 v9, v4;
	v1 =	vadd.f32 $0.0e+00, v1;
	(pc) =	sbr.rel @!p1 .LBB2_3-.Ltmp1, $4  }
0x5d: {  	v15 =	vmul.f32 v11, v2;
	v14 =	vmul.u32 $0x2, v8;
	v8 =	vld [tilespmem:$0x140]  }
0x5e: {  	v4 =	vmul.f32 v6, v3;
	v6 =	vld [tilespmem:$0x150];
	v12 =	vmul.f32 v12, v10;
	v11 =	vadd.f32 v9, v1  }
0x5f: {  	v3 =	vmul.f32 v7, v3;
	v7 =	vld [tilespmem:$0x160];
	v1 =	vor.u32 s24, v14  }
0x60: {  	s25 =	simm.s32 $0x180;
	s26 =	sadd.s32 $0xFFFFFFFF, s26;
	v10 =	vmul.f32 v4, v5;
	s24 =	simm.s32 $0x200;
	v9 =	vld [tilespmem:$0x170];
	[tilespmem:$0x200] =	vst v1;
	v11 =	vadd.f32 v12, v11;
	v12 =	vmul.f32 v13, v15  }
.LBB2_2:
0x61: {  	p1 =	sne.s32 s26, $0x1;
	s26 =	sadd.s32 $0xFFFFFFFF, s26  }
0x62: {  	v4 =	vmul.f32 v4, v2;
	v11 =	vadd.f32 v12, v11;
	v8 =	vmul.f32 v8, v10;
	_ =	sdelay $0x1  }
0x63: {  	v5 =	vmul.f32 v5, v3;
	v4 =	vmul.f32 v6, v4;
	v8 =	vadd.f32 v8, v11;
	_ =	sdelay $0x1  }
0x64: {  	v2 =	vmul.f32 v3, v2;
	v3 =	vadd.f32 v4, v8;
	v4 =	vmul.f32 v7, v5;
	_ =	sdelay $0x1  }
0x65: {  	v2 =	vmul.f32 v9, v2;
	v3 =	vadd.f32 v4, v3;
	_ =	sdelay $0x1  }
0x66: {  	v2 =	vadd.f32 v2, v3;
	_ =	sdelay $0x1  }
0x67: {  	[tilespmem:$0x180] =	vst v2  }
0x68: {  	[hbm4b:s1+s5] =	stream.indirect.scatter [tilespmem:s25], [sflag:$0x1], $0x1, s24, s5, $0xb8;
	[tilespmem:$0x280] =	vst v63  }
0x69: {  	_ =	swait.ge [sflag:s17], $0x10  }
0x6a: {  	[sflag:s17] =	ssyncset.done $0x0  }
0x6b: {  	[sflag:s17] =	ssyncadd.s32 $0xFFFFFFF0  }
0x6c: {  	[tilespmem:s3], [sflag:$0x2] =	stream.linear.gather [hbm4b:s2+s3], $0x80, $0x38;
	[tilespmem:$0x280] =	vst v63  }
0x6d: {  	_ =	swait.ge [sflag:s4], $0x80  }
0x6e: {  	[sflag:s4] =	ssyncset.done $0x0  }
0x6f: {  	[sflag:s4] =	ssyncadd.s32 $0xFFFFFF80  }
0x70: {  	v2 =	vld [tilespmem:$0x30]  }
0x71: {  	v3 =	vld [tilespmem:$0x40]  }
0x72: {  	v4 =	vld [tilespmem:$0x60]  }
0x73: {  	v5 =	vld [tilespmem:$0x50];
	_ =	sdelay $0x3  }
0x74: {  	v8 =	vld [tilespmem:$0x0];
	v2 =	vmul.f32 v4, v2;
	v6 =	vmul.f32 v4, v3  }
0x75: {  	v5 =	vmul.f32 v4, v5  }
0x76: {  	v9 =	vld [tilespmem:$0x10];
	v3 =	vadd.f32 $5.000000000e-01, v2;
	v4 =	vadd.f32 $5.000000000e-01, v6  }
0x77: {  	v2 =	vadd.f32 $5.000000000e-01, v5  }
0x78: {  	v5 =	vtrunc.f32 v3;
	v6 =	vtrunc.f32 v4  }
0x79: {  	v6 =	vcvt.f32.s32 v6;
	v10 =	vtrunc.f32 v2  }
0x7a: {  	v7 =	vcvt.f32.s32 v5;
	v5 =	vcvt.f32.s32 v10  }
0x7b: {  	v10 =	vmul.u32 v6, v8;
	v11 =	vmul.u32 $0x9E3779B1, v6;
	v12 =	vadd.s32 $0x1, v6  }
0x7c: {  	v13 =	vld [tilespmem:$0x20];
	v14 =	vmul.u32 $0x30025795, v5;
	v8 =	vmul.u32 v8, v12;
	v12 =	vadd.s32 $0x1, v7  }
0x7d: {  	v15 =	vmul.u32 v5, v9;
	v16 =	vxor.u32 v7, v11;
	v17 =	vxor.u32 v11, v12  }
0x7e: {  	v20 =	vadd.s32 $0x1, v5;
	v18 =	vadd.s32 v7, v10;
	v19 =	vxor.u32 v14, v16  }
0x7f: {  	v21 =	vadd.s32 v15, v18;
	v22 =	vadd.s32 v12, v8;
	v19 =	vand.u32 $0x7FFFF, v19  }
0x80: {  	v9 =	vmul.u32 v9, v20;
	v11 =	vadd.s32 $0x9E3779B1, v11;
	v19 =	vsel vm0, v21, v19  }
0x81: {  	v20 =	vadd.s32 $0x30025795, v14;
	v8 =	vadd.s32 v7, v8;
	v19 =	vadd.s32 v13, v19  }
0x82: {  	v16 =	vxor.u32 v20, v16;
	v23 =	vadd.s32 v9, v22;
	v21 =	vshll.u32 v19, $0x1  }
0x83: {  	v24 =	vadd.s32 v15, v8;
	v19 =	vand.u32 $0x7F, v19;
	v21 =	vand.u32 $0xFFFFFF00, v21  }
0x84: {  	v22 =	vadd.s32 v15, v22;
	v19 =	vor.u32 v21, v19;
	v21 =	vxor.u32 v7, v11  }
0x85: {  	v26 =	vxor.u32 v20, v17;
	v19 =	vor.u32 v0, v19;
	v25 =	vxor.u32 v14, v21  }
0x86: {  	v8 =	vadd.s32 v9, v8;
	v17 =	vxor.u32 v14, v17;
	[tilespmem:$0x80] =	vst v19;
	v19 =	vand.u32 $0x7FFFF, v26  }
0x87: {  	v18 =	vadd.s32 v9, v18;
	v21 =	vxor.u32 v20, v21;
	v25 =	vand.u32 $0x7FFFF, v25;
	[tilespmem:s8], [sflag:$0x1] =	stream.indirect.gather [hbm4b:s6+s5], $0x1, s7, s5, $0xb8;
	[tilespmem:$0x280] =	vst v63  }
0x88: {  	v10 =	vadd.s32 v10, v12;
	v21 =	vand.u32 $0x7FFFF, v21;
	v24 =	vsel vm0, v24, v25  }
0x89: {  	v17 =	vand.u32 $0x7FFFF, v17;
	v8 =	vsel vm0, v8, v21;
	v24 =	vadd.s32 v13, v24  }
0x8a: {  	v15 =	vadd.s32 v15, v10;
	v8 =	vadd.s32 v13, v8;
	v21 =	vshll.u32 v24, $0x1  }
0x8b: {  	v16 =	vand.u32 $0x7FFFF, v16;
	v25 =	vshll.u32 v8, $0x1;
	v21 =	vand.u32 $0xFFFFFF00, v21  }
0x8c: {  	v16 =	vsel vm0, v18, v16;
	v15 =	vsel vm0, v15, v17;
	v18 =	vand.u32 $0xFFFFFF00, v25  }
0x8d: {  	v9 =	vadd.s32 v9, v10;
	v16 =	vadd.s32 v13, v16;
	v15 =	vadd.s32 v13, v15  }
0x8e: {  	v10 =	vshll.u32 v16, $0x1;
	v17 =	vand.u32 $0x7F, v24;
	v24 =	vshll.u32 v15, $0x1  }
0x8f: {  	v16 =	vand.u32 $0x7F, v16;
	v10 =	vand.u32 $0xFFFFFF00, v10;
	v9 =	vsel vm0, v9, v19  }
0x90: {  	v10 =	vor.u32 v10, v16;
	v16 =	vor.u32 v21, v17;
	v17 =	vand.u32 $0xFFFFFF00, v24  }
0x91: {  	v11 =	vxor.u32 v12, v11;
	v10 =	vor.u32 v0, v10;
	v16 =	vor.u32 v0, v16  }
0x92: {  	v8 =	vand.u32 $0x7F, v8;
	[tilespmem:$0x90] =	vst v10;
	v10 =	vxor.u32 v14, v11;
	v11 =	vxor.u32 v20, v11  }
0x93: {  	v9 =	vadd.s32 v13, v9;
	v8 =	vor.u32 v18, v8;
	[tilespmem:s10], [sflag:$0x1] =	stream.indirect.gather [hbm4b:s6+s5], $0x1, s9, s5, $0xb8;
	v10 =	vand.u32 $0x7FFFF, v10;
	[tilespmem:$0x280] =	vst v63  }
0x94: {  	v12 =	vshll.u32 v9, $0x1;
	v9 =	vand.u32 $0x7F, v9;
	[tilespmem:$0xA0] =	vst v16;
	v10 =	vsel vm0, v22, v10  }
0x95: {  	v12 =	vand.u32 $0xFFFFFF00, v12;
	v8 =	vor.u32 v0, v8;
	[tilespmem:s12], [sflag:$0x1] =	stream.indirect.gather [hbm4b:s6+s5], $0x1, s11, s5, $0xb8;
	v10 =	vadd.s32 v13, v10;
	[tilespmem:$0x280] =	vst v63  }
0x96: {  	v11 =	vand.u32 $0x7FFFF, v11;
	[tilespmem:$0xB0] =	vst v8;
	v8 =	vand.u32 $0x7F, v15;
	v14 =	vshll.u32 v10, $0x1  }
0x97: {  	v10 =	vand.u32 $0x7F, v10;
	[tilespmem:s14], [sflag:$0x1] =	stream.indirect.gather [hbm4b:s6+s5], $0x1, s13, s5, $0xb8;
	v8 =	vor.u32 v17, v8;
	v14 =	vand.u32 $0xFFFFFF00, v14;
	[tilespmem:$0x280] =	vst v63  }
0x98: {  	v11 =	vsel vm0, v23, v11;
	v8 =	vor.u32 v0, v8;
	v10 =	vor.u32 v14, v10  }
0x99: {  	v7 =	vcvt.s32.f32 v7;
	[tilespmem:$0xC0] =	vst v8;
	v8 =	vor.u32 v12, v9;
	v9 =	vadd.s32 v13, v11  }
0x9a: {  	v6 =	vcvt.s32.f32 v6;
	[tilespmem:s16], [sflag:$0x1] =	stream.indirect.gather [hbm4b:s6+s5], $0x1, s15, s5, $0xb8;
	v8 =	vor.u32 v0, v8;
	v11 =	vshll.u32 v9, $0x1;
	[tilespmem:$0x280] =	vst v63  }
0x9b: {  	v9 =	vand.u32 $0x7F, v9;
	[tilespmem:$0xD0] =	vst v8;
	v8 =	vor.u32 v0, v10;
	v10 =	vand.u32 $0xFFFFFF00, v11  }
0x9c: {  	v4 =	vsub.f32 v4, v6;
	v7 =	vsub.f32 v3, v7;
	[tilespmem:s19], [sflag:$0x1] =	stream.indirect.gather [hbm4b:s6+s5], $0x1, s18, s5, $0xb8;
	v3 =	vor.u32 v10, v9;
	[tilespmem:$0x280] =	vst v63  }
0x9d: {  	v5 =	vcvt.s32.f32 v5;
	[tilespmem:$0xE0] =	vst v8;
	v6 =	vor.u32 v0, v3  }
0x9e: {  	v9 =	vsub.f32 $1.000000000e+00, v4;
	v8 =	vsub.f32 $1.000000000e+00, v7;
	v3 =	vmul.f32 v4, v7;
	[tilespmem:s21], [sflag:$0x1] =	stream.indirect.gather [hbm4b:s6+s5], $0x1, s20, s5, $0xb8;
	[tilespmem:$0x280] =	vst v63  }
0x9f: {  	[tilespmem:$0xF0] =	vst v6  }
0xa0: {  	v6 =	vmul.f32 v9, v8;
	v10 =	vmul.f32 v8, v4;
	[tilespmem:s23], [sflag:$0x1] =	stream.indirect.gather [hbm4b:s6+s5], $0x1, s22, s5, $0xb8;
	[tilespmem:$0x280] =	vst v63  }
0xa1: {  	v4 =	vmul.f32 v9, v7;
	_ =	swait.ge [sflag:s17], $0x10  }
0xa2: {  	[sflag:s17] =	ssyncset.done $0x0  }
0xa3: {  	[sflag:s17] =	ssyncadd.s32 $0xFFFFFFF0  }
0xa4: {  	_ =	swait.ge [sflag:s17], $0x10  }
0xa5: {  	[sflag:s17] =	ssyncset.done $0x0  }
0xa6: {  	[sflag:s17] =	ssyncadd.s32 $0xFFFFFFF0  }
0xa7: {  	_ =	swait.ge [sflag:s17], $0x10  }
0xa8: {  	[sflag:s17] =	ssyncset.done $0x0  }
0xa9: {  	[sflag:s17] =	ssyncadd.s32 $0xFFFFFFF0  }
0xaa: {  	_ =	swait.ge [sflag:s17], $0x10  }
0xab: {  	[sflag:s17] =	ssyncset.done $0x0  }
0xac: {  	[sflag:s17] =	ssyncadd.s32 $0xFFFFFFF0  }
0xad: {  	_ =	swait.ge [sflag:s17], $0x10  }
0xae: {  	[sflag:s17] =	ssyncset.done $0x0  }
0xaf: {  	[sflag:s17] =	ssyncadd.s32 $0xFFFFFFF0  }
0xb0: {  	_ =	swait.ge [sflag:s17], $0x10  }
0xb1: {  	[sflag:s17] =	ssyncset.done $0x0  }
0xb2: {  	[sflag:s17] =	ssyncadd.s32 $0xFFFFFFF0  }
0xb3: {  	_ =	swait.ge [sflag:s17], $0x10  }
0xb4: {  	[sflag:s17] =	ssyncset.done $0x0  }
0xb5: {  	[sflag:s17] =	ssyncadd.s32 $0xFFFFFFF0  }
0xb6: {  	_ =	swait.ge [sflag:s17], $0x10  }
0xb7: {  	[sflag:s17] =	ssyncset.done $0x0  }
0xb8: {  	v2 =	vsub.f32 v2, v5;
	[sflag:s17] =	ssyncadd.s32 $0xFFFFFFF0  }
0xb9: {  	v7 =	vld [tilespmem:$0x100];
	[tilespmem:$0x200] =	vst v1  }
0xba: {  	v5 =	vsub.f32 $1.000000000e+00, v2;
	v9 =	vld [tilespmem:$0x110]  }
0xbb: {  	v11 =	vld [tilespmem:$0x120]  }
0xbc: {  	v12 =	vmul.f32 v6, v5;
	v13 =	vld [tilespmem:$0x130]  }
0xbd: {  	v8 =	vld [tilespmem:$0x140]  }
0xbe: {  	v14 =	vmul.f32 v6, v2;
	v12 =	vmul.f32 v7, v12;
	v6 =	vld [tilespmem:$0x150]  }
0xbf: {  	v7 =	vld [tilespmem:$0x160]  }
.Ltmp2:
0xc0: {  	v15 =	vmul.f32 v10, v5;
	v14 =	vmul.f32 v9, v14;
	v12 =	vadd.f32 $0.0e+00, v12;
	v9 =	vld [tilespmem:$0x170];
	(pc) =	sbr.rel @p1 .LBB2_2-.Ltmp2, $3  }
0xc1: {  	_ = 	snop  }
0xc2: {  	v16 =	vmul.f32 v10, v2;
	v11 =	vmul.f32 v11, v15;
	v12 =	vadd.f32 v14, v12;
	_ =	sdelay $0x1  }
0xc3: {  	v10 =	vmul.f32 v4, v5;
	v11 =	vadd.f32 v11, v12;
	v12 =	vmul.f32 v13, v16  }
.LBB2_3:
0xc4: {  	_ = 	snop  }
0xc5: {  	v0 =	vmul.f32 v4, v2;
	v1 =	vadd.f32 v12, v11;
	v60 =	vmul.f32 v8, v10;
	_ =	sdelay $0x1  }
0xc6: {  	v5 =	vmul.f32 v5, v3;
	v0 =	vmul.f32 v6, v0;
	v1 =	vadd.f32 v60, v1;
	_ =	sdelay $0x1  }
0xc7: {  	v61 =	vmul.f32 v3, v2;
	v62 =	vmul.f32 v7, v5;
	v0 =	vadd.f32 v0, v1;
	_ =	sdelay $0x1  }
0xc8: {  	v63 =	vmul.f32 v9, v61;
	v0 =	vadd.f32 v62, v0;
	_ =	sdelay $0x1  }
0xc9: {  	v0 =	vadd.f32 v63, v0;
	_ =	sdelay $0x1  }
0xca: {  	[tilespmem:$0x180] =	vst v0  }
0xcb: {  	[hbm4b:s1+s5] =	stream.indirect.scatter [tilespmem:s25], [sflag:$0x1], $0x1, s24, s5, $0xb8;
	[tilespmem:$0x280] =	vst v63  }
0xcc: {  	_ =	swait.ge [sflag:s17], $0x10  }
0xcd: {  	[sflag:s17] =	ssyncset.done $0x0  }
0xce: {  	[sflag:s17] =	ssyncadd.s32 $0xFFFFFFF0  }
.LBB2_4:
0xcf: {  	_ =	sfence.sel $0x180000  }
0xd0: {  	[bflag:$0x0] =	sbarrier.arrive $0xFFFF  }
0xd1: {  	_ =	strace $0x90000047  }
0xd2: {  	s0 =	sadd.s32 @!p0 $0x100000, s0;
	[bflag:$0x2] =	sbarrier.arrive $0xFFFF  }
0xd3: {  	[sflag:s0] =	ssyncadd.tile.s32 @!p0 $0x1;
	_ =	shalt  }
.Lfunc_end2:
_tile_overlayer_lowered:
.L_overlay_start_2:
0xd4: {  	(tag) =	ssettag $0x2  }
0xd5: {  	s0 =	rddreg [dreg:$0x0];
	s2 =	stileid.u32  }
0xd6: {  	s1 =	rddreg [dreg:$0x1];
	p0 =	sne.s32 s2, $0x0  }
0xd7: {  	s3 =	rddreg [dreg:$0x2];
	[bflag:$0x3] =	sbarrier.arrive $0xFFFF;
	s2 =	simm.s32 @!p0 $0x1C02  }
0xd8: {  	[timem:s3], [sflag:s2] =	dma.local @!p0 [hbm:s0], s1  }
0xd9: {  	s0 =	simm.s32 @!p0 $0x2  }
0xda: {  	_ =	swait.ge @!p0 [sflag:s0], s1  }
0xdb: {  	s1 =	ssub.s32 @!p0 $0x0, s1;
	[sflag:s0] =	ssyncset.done @!p0 $0x0  }
0xdc: {  	[sflag:s0] =	ssyncadd.s32 @!p0 s1  }
0xdd: {  	[bflag:$0x3] =	sbarrier.arrive $0xFFFF  }
0xde: {  	_ =	shalt  }

</sc_bundles>
